<compile_context>
chip_gen: v7x
topology: tpu7x:2x2x1
jax: 0.10.2.dev20260603
libtpu: 0.0.44.dev20260713+nightly
codegen_flags: <defaults>
</compile_context>

<pallas_src>
import jax
import jax.numpy as jnp
from jax import lax
from jax.experimental import pallas as pl
from jax.experimental.pallas import tpu as pltpu
from jax.experimental.pallas import tpu_sc as plsc

N = 10000
D = 128
E = 320000
NC, NS = 2, 16
NW = NC * NS
EPW = E // NW
CH = 80
NCH = EPW // CH
NPAD = 10240
ZROW = NPAD // NS
RPT = 624
HID = 256
G = N // 8


def _mesh():
    return plsc.VectorSubcoreMesh(
        core_axis_name="c", subcore_axis_name="s", num_cores=NC, num_subcores=NS
    )


def _sc_hist_body(edges_hbm, degp_hbm, idx_v, ones_v, zrow_v, deg_sh):
    c = lax.axis_index("c")
    s = lax.axis_index("s")
    wid = s * NC + c

    for i in range(CH // 16):
        ones_v[pl.ds(i * 16, 16)] = jnp.full((16,), 1.0, jnp.float32)
    for i in range(ZROW // 16):
        zrow_v[pl.ds(i * 16, 16)] = jnp.zeros((16,), jnp.float32)

    pltpu.sync_copy(zrow_v, deg_sh.at[pl.ds(s * ZROW, ZROW)])
    plsc.subcore_barrier()

    pltpu.sync_copy(edges_hbm.at[1, wid], idx_v)

    def chunk(j, carry):
        pltpu.sync_copy(ones_v, deg_sh.at[idx_v.at[j]], add=True)
        return carry

    lax.fori_loop(0, NCH, chunk, 0)
    plsc.subcore_barrier()

    pltpu.sync_copy(deg_sh.at[pl.ds(s * ZROW, ZROW)],
                    degp_hbm.at[c, pl.ds(s * ZROW, ZROW)])


def _sc_hist(edges_r):
    fn = pl.kernel(
        _sc_hist_body,
        out_type=jax.ShapeDtypeStruct((NC, NPAD), jnp.float32),
        mesh=_mesh(),
        scratch_types=[
            pltpu.VMEM((NCH, CH), jnp.int32),
            pltpu.VMEM((CH,), jnp.float32),
            pltpu.VMEM((ZROW,), jnp.float32),
            pltpu.VMEM_SHARED((NPAD,), jnp.float32),
        ],
    )
    return fn(edges_r)


def _sc_scatter_body(edges_hbm, y_hbm, accp_hbm, dst_v, src0, src1,
                     rows0, rows1, acc_sh, semi0, semi1, sem0, sem1,
                     semo0, semo1):
    c = lax.axis_index("c")
    s = lax.axis_index("s")
    wid = s * NC + c

    def zrow(j, carry):
        for k in range(D // 16):
            rows0[j, pl.ds(k * 16, 16)] = jnp.zeros((16,), jnp.float32)
        return carry

    lax.fori_loop(0, CH, zrow, 0)
    for i in range(7):
        pltpu.sync_copy(rows0, acc_sh.at[pl.ds(s * RPT + i * CH, CH)])
    pltpu.sync_copy(rows0.at[pl.ds(0, 64)],
                    acc_sh.at[pl.ds(s * RPT + 7 * CH, 64)])

    @pl.when(s == NS - 1)
    def _():
        pltpu.sync_copy(rows0.at[pl.ds(0, 16)], acc_sh.at[pl.ds(NS * RPT, 16)])

    plsc.subcore_barrier()

    pltpu.sync_copy(edges_hbm.at[1, wid], dst_v)

    bufs = ((src0, semi0, rows0, sem0, semo0), (src1, semi1, rows1, sem1, semo1))

    def _step(j, cur, nxt, has_next, has_next2, has_prev):
        sb_c, sa_c, rb_c, sr_c, so_c = cur
        sb_n, sa_n, rb_n, sr_n, so_n = nxt
        if has_next:
            pltpu.make_async_copy(
                edges_hbm.at[0, wid, pl.ds(j + 1, 1)], sb_n, sa_n).wait()
            if has_prev:
                pltpu.make_async_copy(
                    rb_n, acc_sh.at[dst_v.at[j - 1]], so_n).wait()
            pltpu.async_copy(y_hbm.at[sb_n.at[0]], rb_n, sr_n)
        pltpu.make_async_copy(y_hbm.at[sb_c.at[0]], rb_c, sr_c).wait()
        if has_next2:
            pltpu.async_copy(edges_hbm.at[0, wid, pl.ds(j + 2, 1)], sb_c, sa_c)
        pltpu.async_copy(rb_c, acc_sh.at[dst_v.at[j]], so_c, add=True)

    pltpu.async_copy(edges_hbm.at[0, wid, pl.ds(0, 1)], src0, semi0).wait()
    pltpu.async_copy(y_hbm.at[src0.at[0]], rows0, sem0)
    pltpu.async_copy(edges_hbm.at[0, wid, pl.ds(1, 1)], src1, semi1)
    _step(0, bufs[0], bufs[1], True, True, False)

    def run2(i, carry):
        j = 2 * i + 1
        _step(j, bufs[1], bufs[0], True, True, True)
        _step(j + 1, bufs[0], bufs[1], True, True, True)
        return carry

    lax.fori_loop(0, (NCH - 3) // 2, run2, 0)
    _step(NCH - 2, bufs[1], bufs[0], True, False, True)
    _step(NCH - 1, bufs[0], bufs[1], False, False, False)
    pltpu.make_async_copy(rows1, acc_sh.at[dst_v.at[NCH - 2]], semo1).wait()
    pltpu.make_async_copy(rows0, acc_sh.at[dst_v.at[NCH - 1]], semo0).wait()

    plsc.subcore_barrier()
    pltpu.sync_copy(acc_sh.at[pl.ds(s * RPT, RPT)],
                    accp_hbm.at[c, pl.ds(s * RPT, RPT)])

    @pl.when(s == NS - 1)
    def _():
        pltpu.sync_copy(acc_sh.at[pl.ds(NS * RPT, 16)],
                        accp_hbm.at[c, pl.ds(NS * RPT, 16)])


def _sc_scatter(edges_r, y):
    fn = pl.kernel(
        _sc_scatter_body,
        out_type=jax.ShapeDtypeStruct((NC, N, D), jnp.float32),
        mesh=_mesh(),
        scratch_types=[
            pltpu.VMEM((NCH, CH), jnp.int32),
            pltpu.VMEM((1, CH), jnp.int32),
            pltpu.VMEM((1, CH), jnp.int32),
            pltpu.VMEM((CH, D), jnp.float32),
            pltpu.VMEM((CH, D), jnp.float32),
            pltpu.VMEM_SHARED((N, D), jnp.float32),
            pltpu.SemaphoreType.DMA,
            pltpu.SemaphoreType.DMA,
            pltpu.SemaphoreType.DMA,
            pltpu.SemaphoreType.DMA,
            pltpu.SemaphoreType.DMA,
            pltpu.SemaphoreType.DMA,
        ],
    )
    return fn(edges_r, y)


def _tc_xw_body(state_ref, wg_ref, xw_ref):
    xw_ref[...] = jnp.dot(state_ref[...], wg_ref[...],
                          preferred_element_type=jnp.float32)


def _tc_xw(state, Wg):
    blk = 1000
    return pl.pallas_call(
        _tc_xw_body,
        grid=(N // blk,),
        in_specs=[
            pl.BlockSpec((blk, D), lambda i: (i, 0)),
            pl.BlockSpec((D, D), lambda i: (0, 0)),
        ],
        out_specs=pl.BlockSpec((blk, D), lambda i: (i, 0)),
        out_shape=jax.ShapeDtypeStruct((N, D), jnp.float32),
        compiler_params=pltpu.CompilerParams(
            dimension_semantics=("parallel",)),
    )(state, Wg)


def _tc_scale_body(xw_ref, degp_ref, y_ref):
    deg = degp_ref[0] + degp_ref[1] + 1.0
    y_ref[...] = xw_ref[...] * lax.rsqrt(deg)


def _tc_scale(xw, degp3):
    blk = 1000
    return pl.pallas_call(
        _tc_scale_body,
        grid=(N // blk,),
        in_specs=[
            pl.BlockSpec((blk, D), lambda i: (i, 0)),
            pl.BlockSpec((NC, blk, 1), lambda i: (0, i, 0)),
        ],
        out_specs=pl.BlockSpec((blk, D), lambda i: (i, 0)),
        out_shape=jax.ShapeDtypeStruct((N, D), jnp.float32),
        compiler_params=pltpu.CompilerParams(
            dimension_semantics=("parallel",)),
    )(xw, degp3)


BLK = 1000
GB = BLK // 8


def _tc_post_body(accp_ref, y_ref, st_ref, degp_ref, act_ref, bg_ref,
                  w1_ref, b1_ref, w2_ref, b2_ref, w3_ref, b3_ref, q_ref):
    deg = degp_ref[0] + degp_ref[1] + 1.0
    dis = lax.rsqrt(deg)
    acc = accp_ref[0] + accp_ref[1] + y_ref[...]
    z = jnp.maximum(acc * dis + bg_ref[...], 0.0) + st_ref[...]
    rows = lax.broadcasted_iota(jnp.int32, (GB, BLK), 0)
    cols = lax.broadcasted_iota(jnp.int32, (GB, BLK), 1)
    sel = jnp.where(lax.shift_right_logical(cols, 3) == rows, 1.0, 0.0)
    S = sel * (act_ref[0] * 10.0)
    xr = jnp.dot(S, z, preferred_element_type=jnp.float32,
                 precision=lax.Precision.HIGHEST)
    h = jnp.dot(xr, w1_ref[...], preferred_element_type=jnp.float32) + b1_ref[...]
    h = jnp.maximum(h, 0.0)
    h = jnp.dot(h, w2_ref[...], preferred_element_type=jnp.float32) + b2_ref[...]
    h = jnp.maximum(h, 0.0)
    q_ref[0] = jnp.dot(h, w3_ref[...], preferred_element_type=jnp.float32) + b3_ref[...]


def _tc_post(accp, y, state, degp3, a3, bg, W1, b1, W2, b2, W3, b3):
    grid = N // BLK
    q = pl.pallas_call(
        _tc_post_body,
        grid=(grid,),
        in_specs=[
            pl.BlockSpec((NC, BLK, D), lambda i: (0, i, 0)),
            pl.BlockSpec((BLK, D), lambda i: (i, 0)),
            pl.BlockSpec((BLK, D), lambda i: (i, 0)),
            pl.BlockSpec((NC, BLK, 1), lambda i: (0, i, 0)),
            pl.BlockSpec((1, 1, BLK), lambda i: (i, 0, 0)),
            pl.BlockSpec((1, D), lambda i: (0, 0)),
            pl.BlockSpec((D, HID), lambda i: (0, 0)),
            pl.BlockSpec((1, HID), lambda i: (0, 0)),
            pl.BlockSpec((HID, HID), lambda i: (0, 0)),
            pl.BlockSpec((1, HID), lambda i: (0, 0)),
            pl.BlockSpec((HID, 1), lambda i: (0, 0)),
            pl.BlockSpec((1, 1), lambda i: (0, 0)),
        ],
        out_specs=pl.BlockSpec((1, GB, 1), lambda i: (i, 0, 0)),
        out_shape=jax.ShapeDtypeStruct((grid, GB, 1), jnp.float32),
        compiler_params=pltpu.CompilerParams(
            dimension_semantics=("parallel",)),
    )(accp, y, state, degp3, a3, bg.reshape(1, D),
      W1, b1.reshape(1, HID), W2, b2.reshape(1, HID), W3, b3.reshape(1, 1))
    return q.reshape(G)


def kernel(state, edge_index, action, Wg, bg, W1, b1, W2, b2, W3, b3):
    edges_r = edge_index.reshape(2, NW, NCH, CH)

    degp = _sc_hist(edges_r)
    degp3 = degp[:, :N].reshape(NC, N, 1)

    xw = _tc_xw(state, Wg)
    y = _tc_scale(xw, degp3)

    accp = _sc_scatter(edges_r, y)

    return _tc_post(
        accp, y, state, degp3,
        action.reshape(N // BLK, 1, BLK),
        bg, W1, b1, W2, b2, W3, b3,
    )

# --- scband reference (transcript-rebuilt; emitter-appended) ---
"""Pipeline reference for scband-gnncritic1-8091718386003 (READ-ONLY COPY).

The authoritative reference and input builder live on the scoring server;
editing this copy changes nothing except your own understanding.
"""

import jax, jax.numpy as jnp
import numpy as np

IN_CHANNELS = 128
HIDDEN = 256
ACT_DIM = 8
N_NODES = 10000
N_EDGES = 320000


def setup_inputs(seed: int = 0) -> dict:
    key = jax.random.key(seed)
    ks = jax.random.split(key, 12)
    state = jax.random.normal(ks[0], (N_NODES, IN_CHANNELS), dtype=jnp.float32)
    edge_index = jax.random.randint(ks[1], (2, N_EDGES), 0, N_NODES, dtype=jnp.int64 if jax.config.jax_enable_x64 else jnp.int32).astype(jnp.int32)
    action = jax.random.uniform(ks[2], (N_NODES // ACT_DIM, ACT_DIM), dtype=jnp.float32)
    s = 1.0 / np.sqrt(IN_CHANNELS)
    Wg = jax.random.uniform(ks[3], (IN_CHANNELS, IN_CHANNELS), minval=-s, maxval=s, dtype=jnp.float32)
    bg = jnp.zeros((IN_CHANNELS,), dtype=jnp.float32)
    W1 = jax.random.uniform(ks[4], (IN_CHANNELS, HIDDEN), minval=-s, maxval=s, dtype=jnp.float32)
    b1 = jax.random.uniform(ks[5], (HIDDEN,), minval=-s, maxval=s, dtype=jnp.float32)
    s2 = 1.0 / np.sqrt(HIDDEN)
    W2 = jax.random.uniform(ks[6], (HIDDEN, HIDDEN), minval=-s2, maxval=s2, dtype=jnp.float32)
    b2 = jax.random.uniform(ks[7], (HIDDEN,), minval=-s2, maxval=s2, dtype=jnp.float32)
    W3 = jax.random.uniform(ks[8], (HIDDEN, 1), minval=-s2, maxval=s2, dtype=jnp.float32)
    b3 = jax.random.uniform(ks[9], (1,), minval=-s2, maxval=s2, dtype=jnp.float32)
    return {"state": state, "edge_index": edge_index, "action": action,
            "Wg": Wg, "bg": bg, "W1": W1, "b1": b1, "W2": W2, "b2": b2, "W3": W3, "b3": b3}


def gcn_conv(x, edge_index, W, b):
    N = x.shape[0]
    loop = jnp.arange(N, dtype=edge_index.dtype)
    src = jnp.concatenate([edge_index[0], loop])
    dst = jnp.concatenate([edge_index[1], loop])
    xw = x @ W
    deg = jnp.zeros((N,), dtype=x.dtype).at[dst].add(1.0)
    dis = jnp.where(deg > 0, deg ** -0.5, 0.0)
    norm = dis[src] * dis[dst]
    msg = xw[src] * norm[:, None]
    out = jnp.zeros_like(xw).at[dst].add(msg)
    return out + b


def reference(state, edge_index, action, Wg, bg, W1, b1, W2, b2, W3, b3):
    out = jax.nn.relu(gcn_conv(state, edge_index, Wg, bg))
    x = out + state
    x = x.reshape(-1, ACT_DIM, IN_CHANNELS)
    a = (action * 10.0)[:, :, None]
    x = (x * a).sum(axis=1)
    x = jax.nn.relu(x @ W1 + b1)
    x = jax.nn.relu(x @ W2 + b2)
    x = (x @ W3 + b3).squeeze(-1)
    return x

if __name__ == "__main__":
    import jax
    _d = setup_inputs()
    print(jax.jit(kernel)(*tuple(_d.values())))

</pallas_src>

<mosaic_0001>
#map = affine_map<(d0, d1) -> (0, 0, 0, 0)>
#map1 = affine_map<(d0, d1) -> (0, 0)>
module attributes {stable_mosaic.version = 14 : i64} {
  func.func @_sc_hist_body(%arg0: i32, %arg1: i32, %arg2: memref<2x32x125x80xi32, #tpu.memory_space<hbm>>, %arg3: memref<2x10240xf32, #tpu.memory_space<hbm>>, %arg4: memref<125x80xi32, #tpu.memory_space<vmem>>, %arg5: memref<80xf32, #tpu.memory_space<vmem>>, %arg6: memref<640xf32, #tpu.memory_space<vmem>>, %arg7: memref<10240xf32, #tpu.memory_space<vmem_shared>>) attributes {dimension_semantics = [#tpu.dimension_semantics<core_parallel>, #tpu.dimension_semantics<subcore_parallel>], iteration_bounds = array<i64: 2, 16>, scalar_prefetch = 0 : i64, scratch_operands = 4 : i64, tpu.core_type = #tpu.core_type<sc_vector_subcore>, window_params = [{transform_indices = #map}, {transform_indices = #map1}]} {
    %mul3A = arith.constant 2 : i32
    %mul3A_0 = arith.muli %arg1, %mul3A : i32
    %add3A = arith.addi %mul3A_0, %arg0 : i32
    %broadcast_in_dim3A = arith.constant 1.000000e+00 : f32
    %broadcast_in_dim3A_1 = vector.broadcast %broadcast_in_dim3A : f32 to vector<16xf32>
    %swap3A = arith.constant 0 : index
    %swap3A_2 = tpu.vector_load %arg5[%swap3A] {strides = array<i32>} : memref<80xf32, #tpu.memory_space<vmem>>, vector<16xf32>,
    %swap3A_3 = vector.shape_cast %swap3A_2 : vector<16xf32> to vector<16xf32>
    %swap3A_4 = vector.shape_cast %broadcast_in_dim3A_1 : vector<16xf32> to vector<16xf32>
    tpu.vector_store %arg5[%swap3A], %swap3A_4 {strides = array<i32>} : memref<80xf32, #tpu.memory_space<vmem>>, vector<16xf32>,
    %broadcast_in_dim3A_5 = arith.constant 1.000000e+00 : f32
    %broadcast_in_dim3A_6 = vector.broadcast %broadcast_in_dim3A_5 : f32 to vector<16xf32>
    %swap3A_7 = arith.constant 16 : index
    %swap3A_8 = tpu.vector_load %arg5[%swap3A_7] {strides = array<i32>} : memref<80xf32, #tpu.memory_space<vmem>>, vector<16xf32>,
    %swap3A_9 = vector.shape_cast %swap3A_8 : vector<16xf32> to vector<16xf32>
    %swap3A_10 = vector.shape_cast %broadcast_in_dim3A_6 : vector<16xf32> to vector<16xf32>
    tpu.vector_store %arg5[%swap3A_7], %swap3A_10 {strides = array<i32>} : memref<80xf32, #tpu.memory_space<vmem>>, vector<16xf32>,
    %broadcast_in_dim3A_11 = arith.constant 1.000000e+00 : f32
    %broadcast_in_dim3A_12 = vector.broadcast %broadcast_in_dim3A_11 : f32 to vector<16xf32>
    %swap3A_13 = arith.constant 32 : index
    %swap3A_14 = tpu.vector_load %arg5[%swap3A_13] {strides = array<i32>} : memref<80xf32, #tpu.memory_space<vmem>>, vector<16xf32>,
    %swap3A_15 = vector.shape_cast %swap3A_14 : vector<16xf32> to vector<16xf32>
    %swap3A_16 = vector.shape_cast %broadcast_in_dim3A_12 : vector<16xf32> to vector<16xf32>
    tpu.vector_store %arg5[%swap3A_13], %swap3A_16 {strides = array<i32>} : memref<80xf32, #tpu.memory_space<vmem>>, vector<16xf32>,
    %broadcast_in_dim3A_17 = arith.constant 1.000000e+00 : f32
    %broadcast_in_dim3A_18 = vector.broadcast %broadcast_in_dim3A_17 : f32 to vector<16xf32>
    %swap3A_19 = arith.constant 48 : index
    %swap3A_20 = tpu.vector_load %arg5[%swap3A_19] {strides = array<i32>} : memref<80xf32, #tpu.memory_space<vmem>>, vector<16xf32>,
    %swap3A_21 = vector.shape_cast %swap3A_20 : vector<16xf32> to vector<16xf32>
    %swap3A_22 = vector.shape_cast %broadcast_in_dim3A_18 : vector<16xf32> to vector<16xf32>
    tpu.vector_store %arg5[%swap3A_19], %swap3A_22 {strides = array<i32>} : memref<80xf32, #tpu.memory_space<vmem>>, vector<16xf32>,
    %broadcast_in_dim3A_23 = arith.constant 1.000000e+00 : f32
    %broadcast_in_dim3A_24 = vector.broadcast %broadcast_in_dim3A_23 : f32 to vector<16xf32>
    %swap3A_25 = arith.constant 64 : index
    %swap3A_26 = tpu.vector_load %arg5[%swap3A_25] {strides = array<i32>} : memref<80xf32, #tpu.memory_space<vmem>>, vector<16xf32>,
    %swap3A_27 = vector.shape_cast %swap3A_26 : vector<16xf32> to vector<16xf32>
    %swap3A_28 = vector.shape_cast %broadcast_in_dim3A_24 : vector<16xf32> to vector<16xf32>
    tpu.vector_store %arg5[%swap3A_25], %swap3A_28 {strides = array<i32>} : memref<80xf32, #tpu.memory_space<vmem>>, vector<16xf32>,
    %broadcast_in_dim3A_29 = arith.constant 0.000000e+00 : f32
    %broadcast_in_dim3A_30 = vector.broadcast %broadcast_in_dim3A_29 : f32 to vector<16xf32>
    %swap3A_31 = arith.constant 0 : index
    %swap3A_32 = tpu.vector_load %arg6[%swap3A_31] {strides = array<i32>} : memref<640xf32, #tpu.memory_space<vmem>>, vector<16xf32>,
    %swap3A_33 = vector.shape_cast %swap3A_32 : vector<16xf32> to vector<16xf32>
    %swap3A_34 = vector.shape_cast %broadcast_in_dim3A_30 : vector<16xf32> to vector<16xf32>
    tpu.vector_store %arg6[%swap3A_31], %swap3A_34 {strides = array<i32>} : memref<640xf32, #tpu.memory_space<vmem>>, vector<16xf32>,
    %broadcast_in_dim3A_35 = arith.constant 0.000000e+00 : f32
    %broadcast_in_dim3A_36 = vector.broadcast %broadcast_in_dim3A_35 : f32 to vector<16xf32>
    %swap3A_37 = arith.constant 16 : index
    %swap3A_38 = tpu.vector_load %arg6[%swap3A_37] {strides = array<i32>} : memref<640xf32, #tpu.memory_space<vmem>>, vector<16xf32>,
    %swap3A_39 = vector.shape_cast %swap3A_38 : vector<16xf32> to vector<16xf32>
    %swap3A_40 = vector.shape_cast %broadcast_in_dim3A_36 : vector<16xf32> to vector<16xf32>
    tpu.vector_store %arg6[%swap3A_37], %swap3A_40 {strides = array<i32>} : memref<640xf32, #tpu.memory_space<vmem>>, vector<16xf32>,
    %broadcast_in_dim3A_41 = arith.constant 0.000000e+00 : f32
    %broadcast_in_dim3A_42 = vector.broadcast %broadcast_in_dim3A_41 : f32 to vector<16xf32>
    %swap3A_43 = arith.constant 32 : index
    %swap3A_44 = tpu.vector_load %arg6[%swap3A_43] {strides = array<i32>} : memref<640xf32, #tpu.memory_space<vmem>>, vector<16xf32>,
    %swap3A_45 = vector.shape_cast %swap3A_44 : vector<16xf32> to vector<16xf32>
    %swap3A_46 = vector.shape_cast %broadcast_in_dim3A_42 : vector<16xf32> to vector<16xf32>
    tpu.vector_store %arg6[%swap3A_43], %swap3A_46 {strides = array<i32>} : memref<640xf32, #tpu.memory_space<vmem>>, vector<16xf32>,
    %broadcast_in_dim3A_47 = arith.constant 0.000000e+00 : f32
    %broadcast_in_dim3A_48 = vector.broadcast %broadcast_in_dim3A_47 : f32 to vector<16xf32>
    %swap3A_49 = arith.constant 48 : index
    %swap3A_50 = tpu.vector_load %arg6[%swap3A_49] {strides = array<i32>} : memref<640xf32, #tpu.memory_space<vmem>>, vector<16xf32>,
    %swap3A_51 = vector.shape_cast %swap3A_50 : vector<16xf32> to vector<16xf32>
    %swap3A_52 = vector.shape_cast %broadcast_in_dim3A_48 : vector<16xf32> to vector<16xf32>
    tpu.vector_store %arg6[%swap3A_49], %swap3A_52 {strides = array<i32>} : memref<640xf32, #tpu.memory_space<vmem>>, vector<16xf32>,
    %broadcast_in_dim3A_53 = arith.constant 0.000000e+00 : f32
    %broadcast_in_dim3A_54 = vector.broadcast %broadcast_in_dim3A_53 : f32 to vector<16xf32>
    %swap3A_55 = arith.constant 64 : index
    %swap3A_56 = tpu.vector_load %arg6[%swap3A_55] {strides = array<i32>} : memref<640xf32, #tpu.memory_space<vmem>>, vector<16xf32>,
    %swap3A_57 = vector.shape_cast %swap3A_56 : vector<16xf32> to vector<16xf32>
    %swap3A_58 = vector.shape_cast %broadcast_in_dim3A_54 : vector<16xf32> to vector<16xf32>
    tpu.vector_store %arg6[%swap3A_55], %swap3A_58 {strides = array<i32>} : memref<640xf32, #tpu.memory_space<vmem>>, vector<16xf32>,
    %broadcast_in_dim3A_59 = arith.constant 0.000000e+00 : f32
    %broadcast_in_dim3A_60 = vector.broadcast %broadcast_in_dim3A_59 : f32 to vector<16xf32>
    %swap3A_61 = arith.constant 80 : index
    %swap3A_62 = tpu.vector_load %arg6[%swap3A_61] {strides = array<i32>} : memref<640xf32, #tpu.memory_space<vmem>>, vector<16xf32>,
    %swap3A_63 = vector.shape_cast %swap3A_62 : vector<16xf32> to vector<16xf32>
    %swap3A_64 = vector.shape_cast %broadcast_in_dim3A_60 : vector<16xf32> to vector<16xf32>
    tpu.vector_store %arg6[%swap3A_61], %swap3A_64 {strides = array<i32>} : memref<640xf32, #tpu.memory_space<vmem>>, vector<16xf32>,
    %broadcast_in_dim3A_65 = arith.constant 0.000000e+00 : f32
    %broadcast_in_dim3A_66 = vector.broadcast %broadcast_in_dim3A_65 : f32 to vector<16xf32>
    %swap3A_67 = arith.constant 96 : index
    %swap3A_68 = tpu.vector_load %arg6[%swap3A_67] {strides = array<i32>} : memref<640xf32, #tpu.memory_space<vmem>>, vector<16xf32>,
    %swap3A_69 = vector.shape_cast %swap3A_68 : vector<16xf32> to vector<16xf32>
    %swap3A_70 = vector.shape_cast %broadcast_in_dim3A_66 : vector<16xf32> to vector<16xf32>
    tpu.vector_store %arg6[%swap3A_67], %swap3A_70 {strides = array<i32>} : memref<640xf32, #tpu.memory_space<vmem>>, vector<16xf32>,
    %broadcast_in_dim3A_71 = arith.constant 0.000000e+00 : f32
    %broadcast_in_dim3A_72 = vector.broadcast %broadcast_in_dim3A_71 : f32 to vector<16xf32>
    %swap3A_73 = arith.constant 112 : index
    %swap3A_74 = tpu.vector_load %arg6[%swap3A_73] {strides = array<i32>} : memref<640xf32, #tpu.memory_space<vmem>>, vector<16xf32>,
    %swap3A_75 = vector.shape_cast %swap3A_74 : vector<16xf32> to vector<16xf32>
    %swap3A_76 = vector.shape_cast %broadcast_in_dim3A_72 : vector<16xf32> to vector<16xf32>
    tpu.vector_store %arg6[%swap3A_73], %swap3A_76 {strides = array<i32>} : memref<640xf32, #tpu.memory_space<vmem>>, vector<16xf32>,
    %broadcast_in_dim3A_77 = arith.constant 0.000000e+00 : f32
    %broadcast_in_dim3A_78 = vector.broadcast %broadcast_in_dim3A_77 : f32 to vector<16xf32>
    %swap3A_79 = arith.constant 128 : index
    %swap3A_80 = tpu.vector_load %arg6[%swap3A_79] {strides = array<i32>} : memref<640xf32, #tpu.memory_space<vmem>>, vector<16xf32>,
    %swap3A_81 = vector.shape_cast %swap3A_80 : vector<16xf32> to vector<16xf32>
    %swap3A_82 = vector.shape_cast %broadcast_in_dim3A_78 : vector<16xf32> to vector<16xf32>
    tpu.vector_store %arg6[%swap3A_79], %swap3A_82 {strides = array<i32>} : memref<640xf32, #tpu.memory_space<vmem>>, vector<16xf32>,
    %broadcast_in_dim3A_83 = arith.constant 0.000000e+00 : f32
    %broadcast_in_dim3A_84 = vector.broadcast %broadcast_in_dim3A_83 : f32 to vector<16xf32>
    %swap3A_85 = arith.constant 144 : index
    %swap3A_86 = tpu.vector_load %arg6[%swap3A_85] {strides = array<i32>} : memref<640xf32, #tpu.memory_space<vmem>>, vector<16xf32>,
    %swap3A_87 = vector.shape_cast %swap3A_86 : vector<16xf32> to vector<16xf32>
    %swap3A_88 = vector.shape_cast %broadcast_in_dim3A_84 : vector<16xf32> to vector<16xf32>
    tpu.vector_store %arg6[%swap3A_85], %swap3A_88 {strides = array<i32>} : memref<640xf32, #tpu.memory_space<vmem>>, vector<16xf32>,
    %broadcast_in_dim3A_89 = arith.constant 0.000000e+00 : f32
    %broadcast_in_dim3A_90 = vector.broadcast %broadcast_in_dim3A_89 : f32 to vector<16xf32>
    %swap3A_91 = arith.constant 160 : index
    %swap3A_92 = tpu.vector_load %arg6[%swap3A_91] {strides = array<i32>} : memref<640xf32, #tpu.memory_space<vmem>>, vector<16xf32>,
    %swap3A_93 = vector.shape_cast %swap3A_92 : vector<16xf32> to vector<16xf32>
    %swap3A_94 = vector.shape_cast %broadcast_in_dim3A_90 : vector<16xf32> to vector<16xf32>
    tpu.vector_store %arg6[%swap3A_91], %swap3A_94 {strides = array<i32>} : memref<640xf32, #tpu.memory_space<vmem>>, vector<16xf32>,
    %broadcast_in_dim3A_95 = arith.constant 0.000000e+00 : f32
    %broadcast_in_dim3A_96 = vector.broadcast %broadcast_in_dim3A_95 : f32 to vector<16xf32>
    %swap3A_97 = arith.constant 176 : index
    %swap3A_98 = tpu.vector_load %arg6[%swap3A_97] {strides = array<i32>} : memref<640xf32, #tpu.memory_space<vmem>>, vector<16xf32>,
    %swap3A_99 = vector.shape_cast %swap3A_98 : vector<16xf32> to vector<16xf32>
    %swap3A_100 = vector.shape_cast %broadcast_in_dim3A_96 : vector<16xf32> to vector<16xf32>
    tpu.vector_store %arg6[%swap3A_97], %swap3A_100 {strides = array<i32>} : memref<640xf32, #tpu.memory_space<vmem>>, vector<16xf32>,
    %broadcast_in_dim3A_101 = arith.constant 0.000000e+00 : f32
    %broadcast_in_dim3A_102 = vector.broadcast %broadcast_in_dim3A_101 : f32 to vector<16xf32>
    %swap3A_103 = arith.constant 192 : index
    %swap3A_104 = tpu.vector_load %arg6[%swap3A_103] {strides = array<i32>} : memref<640xf32, #tpu.memory_space<vmem>>, vector<16xf32>,
    %swap3A_105 = vector.shape_cast %swap3A_104 : vector<16xf32> to vector<16xf32>
    %swap3A_106 = vector.shape_cast %broadcast_in_dim3A_102 : vector<16xf32> to vector<16xf32>
    tpu.vector_store %arg6[%swap3A_103], %swap3A_106 {strides = array<i32>} : memref<640xf32, #tpu.memory_space<vmem>>, vector<16xf32>,
    %broadcast_in_dim3A_107 = arith.constant 0.000000e+00 : f32
    %broadcast_in_dim3A_108 = vector.broadcast %broadcast_in_dim3A_107 : f32 to vector<16xf32>
    %swap3A_109 = arith.constant 208 : index
    %swap3A_110 = tpu.vector_load %arg6[%swap3A_109] {strides = array<i32>} : memref<640xf32, #tpu.memory_space<vmem>>, vector<16xf32>,
    %swap3A_111 = vector.shape_cast %swap3A_110 : vector<16xf32> to vector<16xf32>
    %swap3A_112 = vector.shape_cast %broadcast_in_dim3A_108 : vector<16xf32> to vector<16xf32>
    tpu.vector_store %arg6[%swap3A_109], %swap3A_112 {strides = array<i32>} : memref<640xf32, #tpu.memory_space<vmem>>, vector<16xf32>,
    %broadcast_in_dim3A_113 = arith.constant 0.000000e+00 : f32
    %broadcast_in_dim3A_114 = vector.broadcast %broadcast_in_dim3A_113 : f32 to vector<16xf32>
    %swap3A_115 = arith.constant 224 : index
    %swap3A_116 = tpu.vector_load %arg6[%swap3A_115] {strides = array<i32>} : memref<640xf32, #tpu.memory_space<vmem>>, vector<16xf32>,
    %swap3A_117 = vector.shape_cast %swap3A_116 : vector<16xf32> to vector<16xf32>
    %swap3A_118 = vector.shape_cast %broadcast_in_dim3A_114 : vector<16xf32> to vector<16xf32>
    tpu.vector_store %arg6[%swap3A_115], %swap3A_118 {strides = array<i32>} : memref<640xf32, #tpu.memory_space<vmem>>, vector<16xf32>,
    %broadcast_in_dim3A_119 = arith.constant 0.000000e+00 : f32
    %broadcast_in_dim3A_120 = vector.broadcast %broadcast_in_dim3A_119 : f32 to vector<16xf32>
    %swap3A_121 = arith.constant 240 : index
    %swap3A_122 = tpu.vector_load %arg6[%swap3A_121] {strides = array<i32>} : memref<640xf32, #tpu.memory_space<vmem>>, vector<16xf32>,
    %swap3A_123 = vector.shape_cast %swap3A_122 : vector<16xf32> to vector<16xf32>
    %swap3A_124 = vector.shape_cast %broadcast_in_dim3A_120 : vector<16xf32> to vector<16xf32>
    tpu.vector_store %arg6[%swap3A_121], %swap3A_124 {strides = array<i32>} : memref<640xf32, #tpu.memory_space<vmem>>, vector<16xf32>,
    %broadcast_in_dim3A_125 = arith.constant 0.000000e+00 : f32
    %broadcast_in_dim3A_126 = vector.broadcast %broadcast_in_dim3A_125 : f32 to vector<16xf32>
    %swap3A_127 = arith.constant 256 : index
    %swap3A_128 = tpu.vector_load %arg6[%swap3A_127] {strides = array<i32>} : memref<640xf32, #tpu.memory_space<vmem>>, vector<16xf32>,
    %swap3A_129 = vector.shape_cast %swap3A_128 : vector<16xf32> to vector<16xf32>
    %swap3A_130 = vector.shape_cast %broadcast_in_dim3A_126 : vector<16xf32> to vector<16xf32>
    tpu.vector_store %arg6[%swap3A_127], %swap3A_130 {strides = array<i32>} : memref<640xf32, #tpu.memory_space<vmem>>, vector<16xf32>,
    %broadcast_in_dim3A_131 = arith.constant 0.000000e+00 : f32
    %broadcast_in_dim3A_132 = vector.broadcast %broadcast_in_dim3A_131 : f32 to vector<16xf32>
    %swap3A_133 = arith.constant 272 : index
    %swap3A_134 = tpu.vector_load %arg6[%swap3A_133] {strides = array<i32>} : memref<640xf32, #tpu.memory_space<vmem>>, vector<16xf32>,
    %swap3A_135 = vector.shape_cast %swap3A_134 : vector<16xf32> to vector<16xf32>
    %swap3A_136 = vector.shape_cast %broadcast_in_dim3A_132 : vector<16xf32> to vector<16xf32>
    tpu.vector_store %arg6[%swap3A_133], %swap3A_136 {strides = array<i32>} : memref<640xf32, #tpu.memory_space<vmem>>, vector<16xf32>,
    %broadcast_in_dim3A_137 = arith.constant 0.000000e+00 : f32
    %broadcast_in_dim3A_138 = vector.broadcast %broadcast_in_dim3A_137 : f32 to vector<16xf32>
    %swap3A_139 = arith.constant 288 : index
    %swap3A_140 = tpu.vector_load %arg6[%swap3A_139] {strides = array<i32>} : memref<640xf32, #tpu.memory_space<vmem>>, vector<16xf32>,
    %swap3A_141 = vector.shape_cast %swap3A_140 : vector<16xf32> to vector<16xf32>
    %swap3A_142 = vector.shape_cast %broadcast_in_dim3A_138 : vector<16xf32> to vector<16xf32>
    tpu.vector_store %arg6[%swap3A_139], %swap3A_142 {strides = array<i32>} : memref<640xf32, #tpu.memory_space<vmem>>, vector<16xf32>,
    %broadcast_in_dim3A_143 = arith.constant 0.000000e+00 : f32
    %broadcast_in_dim3A_144 = vector.broadcast %broadcast_in_dim3A_143 : f32 to vector<16xf32>
    %swap3A_145 = arith.constant 304 : index
    %swap3A_146 = tpu.vector_load %arg6[%swap3A_145] {strides = array<i32>} : memref<640xf32, #tpu.memory_space<vmem>>, vector<16xf32>,
    %swap3A_147 = vector.shape_cast %swap3A_146 : vector<16xf32> to vector<16xf32>
    %swap3A_148 = vector.shape_cast %broadcast_in_dim3A_144 : vector<16xf32> to vector<16xf32>
    tpu.vector_store %arg6[%swap3A_145], %swap3A_148 {strides = array<i32>} : memref<640xf32, #tpu.memory_space<vmem>>, vector<16xf32>,
    %broadcast_in_dim3A_149 = arith.constant 0.000000e+00 : f32
    %broadcast_in_dim3A_150 = vector.broadcast %broadcast_in_dim3A_149 : f32 to vector<16xf32>
    %swap3A_151 = arith.constant 320 : index
    %swap3A_152 = tpu.vector_load %arg6[%swap3A_151] {strides = array<i32>} : memref<640xf32, #tpu.memory_space<vmem>>, vector<16xf32>,
    %swap3A_153 = vector.shape_cast %swap3A_152 : vector<16xf32> to vector<16xf32>
    %swap3A_154 = vector.shape_cast %broadcast_in_dim3A_150 : vector<16xf32> to vector<16xf32>
    tpu.vector_store %arg6[%swap3A_151], %swap3A_154 {strides = array<i32>} : memref<640xf32, #tpu.memory_space<vmem>>, vector<16xf32>,
    %broadcast_in_dim3A_155 = arith.constant 0.000000e+00 : f32
    %broadcast_in_dim3A_156 = vector.broadcast %broadcast_in_dim3A_155 : f32 to vector<16xf32>
    %swap3A_157 = arith.constant 336 : index
    %swap3A_158 = tpu.vector_load %arg6[%swap3A_157] {strides = array<i32>} : memref<640xf32, #tpu.memory_space<vmem>>, vector<16xf32>,
    %swap3A_159 = vector.shape_cast %swap3A_158 : vector<16xf32> to vector<16xf32>
    %swap3A_160 = vector.shape_cast %broadcast_in_dim3A_156 : vector<16xf32> to vector<16xf32>
    tpu.vector_store %arg6[%swap3A_157], %swap3A_160 {strides = array<i32>} : memref<640xf32, #tpu.memory_space<vmem>>, vector<16xf32>,
    %broadcast_in_dim3A_161 = arith.constant 0.000000e+00 : f32
    %broadcast_in_dim3A_162 = vector.broadcast %broadcast_in_dim3A_161 : f32 to vector<16xf32>
    %swap3A_163 = arith.constant 352 : index
    %swap3A_164 = tpu.vector_load %arg6[%swap3A_163] {strides = array<i32>} : memref<640xf32, #tpu.memory_space<vmem>>, vector<16xf32>,
    %swap3A_165 = vector.shape_cast %swap3A_164 : vector<16xf32> to vector<16xf32>
    %swap3A_166 = vector.shape_cast %broadcast_in_dim3A_162 : vector<16xf32> to vector<16xf32>
    tpu.vector_store %arg6[%swap3A_163], %swap3A_166 {strides = array<i32>} : memref<640xf32, #tpu.memory_space<vmem>>, vector<16xf32>,
    %broadcast_in_dim3A_167 = arith.constant 0.000000e+00 : f32
    %broadcast_in_dim3A_168 = vector.broadcast %broadcast_in_dim3A_167 : f32 to vector<16xf32>
    %swap3A_169 = arith.constant 368 : index
    %swap3A_170 = tpu.vector_load %arg6[%swap3A_169] {strides = array<i32>} : memref<640xf32, #tpu.memory_space<vmem>>, vector<16xf32>,
    %swap3A_171 = vector.shape_cast %swap3A_170 : vector<16xf32> to vector<16xf32>
    %swap3A_172 = vector.shape_cast %broadcast_in_dim3A_168 : vector<16xf32> to vector<16xf32>
    tpu.vector_store %arg6[%swap3A_169], %swap3A_172 {strides = array<i32>} : memref<640xf32, #tpu.memory_space<vmem>>, vector<16xf32>,
    %broadcast_in_dim3A_173 = arith.constant 0.000000e+00 : f32
    %broadcast_in_dim3A_174 = vector.broadcast %broadcast_in_dim3A_173 : f32 to vector<16xf32>
    %swap3A_175 = arith.constant 384 : index
    %swap3A_176 = tpu.vector_load %arg6[%swap3A_175] {strides = array<i32>} : memref<640xf32, #tpu.memory_space<vmem>>, vector<16xf32>,
    %swap3A_177 = vector.shape_cast %swap3A_176 : vector<16xf32> to vector<16xf32>
    %swap3A_178 = vector.shape_cast %broadcast_in_dim3A_174 : vector<16xf32> to vector<16xf32>
    tpu.vector_store %arg6[%swap3A_175], %swap3A_178 {strides = array<i32>} : memref<640xf32, #tpu.memory_space<vmem>>, vector<16xf32>,
    %broadcast_in_dim3A_179 = arith.constant 0.000000e+00 : f32
    %broadcast_in_dim3A_180 = vector.broadcast %broadcast_in_dim3A_179 : f32 to vector<16xf32>
    %swap3A_181 = arith.constant 400 : index
    %swap3A_182 = tpu.vector_load %arg6[%swap3A_181] {strides = array<i32>} : memref<640xf32, #tpu.memory_space<vmem>>, vector<16xf32>,
    %swap3A_183 = vector.shape_cast %swap3A_182 : vector<16xf32> to vector<16xf32>
    %swap3A_184 = vector.shape_cast %broadcast_in_dim3A_180 : vector<16xf32> to vector<16xf32>
    tpu.vector_store %arg6[%swap3A_181], %swap3A_184 {strides = array<i32>} : memref<640xf32, #tpu.memory_space<vmem>>, vector<16xf32>,
    %broadcast_in_dim3A_185 = arith.constant 0.000000e+00 : f32
    %broadcast_in_dim3A_186 = vector.broadcast %broadcast_in_dim3A_185 : f32 to vector<16xf32>
    %swap3A_187 = arith.constant 416 : index
    %swap3A_188 = tpu.vector_load %arg6[%swap3A_187] {strides = array<i32>} : memref<640xf32, #tpu.memory_space<vmem>>, vector<16xf32>,
    %swap3A_189 = vector.shape_cast %swap3A_188 : vector<16xf32> to vector<16xf32>
    %swap3A_190 = vector.shape_cast %broadcast_in_dim3A_186 : vector<16xf32> to vector<16xf32>
    tpu.vector_store %arg6[%swap3A_187], %swap3A_190 {strides = array<i32>} : memref<640xf32, #tpu.memory_space<vmem>>, vector<16xf32>,
    %broadcast_in_dim3A_191 = arith.constant 0.000000e+00 : f32
    %broadcast_in_dim3A_192 = vector.broadcast %broadcast_in_dim3A_191 : f32 to vector<16xf32>
    %swap3A_193 = arith.constant 432 : index
    %swap3A_194 = tpu.vector_load %arg6[%swap3A_193] {strides = array<i32>} : memref<640xf32, #tpu.memory_space<vmem>>, vector<16xf32>,
    %swap3A_195 = vector.shape_cast %swap3A_194 : vector<16xf32> to vector<16xf32>
    %swap3A_196 = vector.shape_cast %broadcast_in_dim3A_192 : vector<16xf32> to vector<16xf32>
    tpu.vector_store %arg6[%swap3A_193], %swap3A_196 {strides = array<i32>} : memref<640xf32, #tpu.memory_space<vmem>>, vector<16xf32>,
    %broadcast_in_dim3A_197 = arith.constant 0.000000e+00 : f32
    %broadcast_in_dim3A_198 = vector.broadcast %broadcast_in_dim3A_197 : f32 to vector<16xf32>
    %swap3A_199 = arith.constant 448 : index
    %swap3A_200 = tpu.vector_load %arg6[%swap3A_199] {strides = array<i32>} : memref<640xf32, #tpu.memory_space<vmem>>, vector<16xf32>,
    %swap3A_201 = vector.shape_cast %swap3A_200 : vector<16xf32> to vector<16xf32>
    %swap3A_202 = vector.shape_cast %broadcast_in_dim3A_198 : vector<16xf32> to vector<16xf32>
    tpu.vector_store %arg6[%swap3A_199], %swap3A_202 {strides = array<i32>} : memref<640xf32, #tpu.memory_space<vmem>>, vector<16xf32>,
    %broadcast_in_dim3A_203 = arith.constant 0.000000e+00 : f32
    %broadcast_in_dim3A_204 = vector.broadcast %broadcast_in_dim3A_203 : f32 to vector<16xf32>
    %swap3A_205 = arith.constant 464 : index
    %swap3A_206 = tpu.vector_load %arg6[%swap3A_205] {strides = array<i32>} : memref<640xf32, #tpu.memory_space<vmem>>, vector<16xf32>,
    %swap3A_207 = vector.shape_cast %swap3A_206 : vector<16xf32> to vector<16xf32>
    %swap3A_208 = vector.shape_cast %broadcast_in_dim3A_204 : vector<16xf32> to vector<16xf32>
    tpu.vector_store %arg6[%swap3A_205], %swap3A_208 {strides = array<i32>} : memref<640xf32, #tpu.memory_space<vmem>>, vector<16xf32>,
    %broadcast_in_dim3A_209 = arith.constant 0.000000e+00 : f32
    %broadcast_in_dim3A_210 = vector.broadcast %broadcast_in_dim3A_209 : f32 to vector<16xf32>
    %swap3A_211 = arith.constant 480 : index
    %swap3A_212 = tpu.vector_load %arg6[%swap3A_211] {strides = array<i32>} : memref<640xf32, #tpu.memory_space<vmem>>, vector<16xf32>,
    %swap3A_213 = vector.shape_cast %swap3A_212 : vector<16xf32> to vector<16xf32>
    %swap3A_214 = vector.shape_cast %broadcast_in_dim3A_210 : vector<16xf32> to vector<16xf32>
    tpu.vector_store %arg6[%swap3A_211], %swap3A_214 {strides = array<i32>} : memref<640xf32, #tpu.memory_space<vmem>>, vector<16xf32>,
    %broadcast_in_dim3A_215 = arith.constant 0.000000e+00 : f32
    %broadcast_in_dim3A_216 = vector.broadcast %broadcast_in_dim3A_215 : f32 to vector<16xf32>
    %swap3A_217 = arith.constant 496 : index
    %swap3A_218 = tpu.vector_load %arg6[%swap3A_217] {strides = array<i32>} : memref<640xf32, #tpu.memory_space<vmem>>, vector<16xf32>,
    %swap3A_219 = vector.shape_cast %swap3A_218 : vector<16xf32> to vector<16xf32>
    %swap3A_220 = vector.shape_cast %broadcast_in_dim3A_216 : vector<16xf32> to vector<16xf32>
    tpu.vector_store %arg6[%swap3A_217], %swap3A_220 {strides = array<i32>} : memref<640xf32, #tpu.memory_space<vmem>>, vector<16xf32>,
    %broadcast_in_dim3A_221 = arith.constant 0.000000e+00 : f32
    %broadcast_in_dim3A_222 = vector.broadcast %broadcast_in_dim3A_221 : f32 to vector<16xf32>
    %swap3A_223 = arith.constant 512 : index
    %swap3A_224 = tpu.vector_load %arg6[%swap3A_223] {strides = array<i32>} : memref<640xf32, #tpu.memory_space<vmem>>, vector<16xf32>,
    %swap3A_225 = vector.shape_cast %swap3A_224 : vector<16xf32> to vector<16xf32>
    %swap3A_226 = vector.shape_cast %broadcast_in_dim3A_222 : vector<16xf32> to vector<16xf32>
    tpu.vector_store %arg6[%swap3A_223], %swap3A_226 {strides = array<i32>} : memref<640xf32, #tpu.memory_space<vmem>>, vector<16xf32>,
    %broadcast_in_dim3A_227 = arith.constant 0.000000e+00 : f32
    %broadcast_in_dim3A_228 = vector.broadcast %broadcast_in_dim3A_227 : f32 to vector<16xf32>
    %swap3A_229 = arith.constant 528 : index
    %swap3A_230 = tpu.vector_load %arg6[%swap3A_229] {strides = array<i32>} : memref<640xf32, #tpu.memory_space<vmem>>, vector<16xf32>,
    %swap3A_231 = vector.shape_cast %swap3A_230 : vector<16xf32> to vector<16xf32>
    %swap3A_232 = vector.shape_cast %broadcast_in_dim3A_228 : vector<16xf32> to vector<16xf32>
    tpu.vector_store %arg6[%swap3A_229], %swap3A_232 {strides = array<i32>} : memref<640xf32, #tpu.memory_space<vmem>>, vector<16xf32>,
    %broadcast_in_dim3A_233 = arith.constant 0.000000e+00 : f32
    %broadcast_in_dim3A_234 = vector.broadcast %broadcast_in_dim3A_233 : f32 to vector<16xf32>
    %swap3A_235 = arith.constant 544 : index
    %swap3A_236 = tpu.vector_load %arg6[%swap3A_235] {strides = array<i32>} : memref<640xf32, #tpu.memory_space<vmem>>, vector<16xf32>,
    %swap3A_237 = vector.shape_cast %swap3A_236 : vector<16xf32> to vector<16xf32>
    %swap3A_238 = vector.shape_cast %broadcast_in_dim3A_234 : vector<16xf32> to vector<16xf32>
    tpu.vector_store %arg6[%swap3A_235], %swap3A_238 {strides = array<i32>} : memref<640xf32, #tpu.memory_space<vmem>>, vector<16xf32>,
    %broadcast_in_dim3A_239 = arith.constant 0.000000e+00 : f32
    %broadcast_in_dim3A_240 = vector.broadcast %broadcast_in_dim3A_239 : f32 to vector<16xf32>
    %swap3A_241 = arith.constant 560 : index
    %swap3A_242 = tpu.vector_load %arg6[%swap3A_241] {strides = array<i32>} : memref<640xf32, #tpu.memory_space<vmem>>, vector<16xf32>,
    %swap3A_243 = vector.shape_cast %swap3A_242 : vector<16xf32> to vector<16xf32>
    %swap3A_244 = vector.shape_cast %broadcast_in_dim3A_240 : vector<16xf32> to vector<16xf32>
    tpu.vector_store %arg6[%swap3A_241], %swap3A_244 {strides = array<i32>} : memref<640xf32, #tpu.memory_space<vmem>>, vector<16xf32>,
    %broadcast_in_dim3A_245 = arith.constant 0.000000e+00 : f32
    %broadcast_in_dim3A_246 = vector.broadcast %broadcast_in_dim3A_245 : f32 to vector<16xf32>
    %swap3A_247 = arith.constant 576 : index
    %swap3A_248 = tpu.vector_load %arg6[%swap3A_247] {strides = array<i32>} : memref<640xf32, #tpu.memory_space<vmem>>, vector<16xf32>,
    %swap3A_249 = vector.shape_cast %swap3A_248 : vector<16xf32> to vector<16xf32>
    %swap3A_250 = vector.shape_cast %broadcast_in_dim3A_246 : vector<16xf32> to vector<16xf32>
    tpu.vector_store %arg6[%swap3A_247], %swap3A_250 {strides = array<i32>} : memref<640xf32, #tpu.memory_space<vmem>>, vector<16xf32>,
    %broadcast_in_dim3A_251 = arith.constant 0.000000e+00 : f32
    %broadcast_in_dim3A_252 = vector.broadcast %broadcast_in_dim3A_251 : f32 to vector<16xf32>
    %swap3A_253 = arith.constant 592 : index
    %swap3A_254 = tpu.vector_load %arg6[%swap3A_253] {strides = array<i32>} : memref<640xf32, #tpu.memory_space<vmem>>, vector<16xf32>,
    %swap3A_255 = vector.shape_cast %swap3A_254 : vector<16xf32> to vector<16xf32>
    %swap3A_256 = vector.shape_cast %broadcast_in_dim3A_252 : vector<16xf32> to vector<16xf32>
    tpu.vector_store %arg6[%swap3A_253], %swap3A_256 {strides = array<i32>} : memref<640xf32, #tpu.memory_space<vmem>>, vector<16xf32>,
    %broadcast_in_dim3A_257 = arith.constant 0.000000e+00 : f32
    %broadcast_in_dim3A_258 = vector.broadcast %broadcast_in_dim3A_257 : f32 to vector<16xf32>
    %swap3A_259 = arith.constant 608 : index
    %swap3A_260 = tpu.vector_load %arg6[%swap3A_259] {strides = array<i32>} : memref<640xf32, #tpu.memory_space<vmem>>, vector<16xf32>,
    %swap3A_261 = vector.shape_cast %swap3A_260 : vector<16xf32> to vector<16xf32>
    %swap3A_262 = vector.shape_cast %broadcast_in_dim3A_258 : vector<16xf32> to vector<16xf32>
    tpu.vector_store %arg6[%swap3A_259], %swap3A_262 {strides = array<i32>} : memref<640xf32, #tpu.memory_space<vmem>>, vector<16xf32>,
    %broadcast_in_dim3A_263 = arith.constant 0.000000e+00 : f32
    %broadcast_in_dim3A_264 = vector.broadcast %broadcast_in_dim3A_263 : f32 to vector<16xf32>
    %swap3A_265 = arith.constant 624 : index
    %swap3A_266 = tpu.vector_load %arg6[%swap3A_265] {strides = array<i32>} : memref<640xf32, #tpu.memory_space<vmem>>, vector<16xf32>,
    %swap3A_267 = vector.shape_cast %swap3A_266 : vector<16xf32> to vector<16xf32>
    %swap3A_268 = vector.shape_cast %broadcast_in_dim3A_264 : vector<16xf32> to vector<16xf32>
    tpu.vector_store %arg6[%swap3A_265], %swap3A_268 {strides = array<i32>} : memref<640xf32, #tpu.memory_space<vmem>>, vector<16xf32>,
    %mul3A_269 = arith.constant 640 : i32
    %mul3A_270 = arith.muli %arg1, %mul3A_269 : i32
    "tpu.region"() ({
      %run_scoped3A_281 = tpu.sem_alloc : memref<!tpu.dma_semaphore, #tpu.memory_space<semaphore_mem>>
      %dma_start3A = tpu.memref_slice %arg7[%mul3A_270] : memref<10240xf32, #tpu.memory_space<vmem_shared>> -> memref<640xf32, #tpu.memory_space<vmem_shared>>
      %dma_start3A_282 = tpu.memref_slice %arg7[%mul3A_270] : memref<10240xf32, #tpu.memory_space<vmem_shared>> -> memref<640xf32, #tpu.memory_space<vmem_shared>>
      tpu.enqueue_dma source(%arg6 : memref<640xf32, #tpu.memory_space<vmem>>) target(%dma_start3A_282 : memref<640xf32, #tpu.memory_space<vmem_shared>>) target_semaphore(%run_scoped3A_281 : memref<!tpu.dma_semaphore, #tpu.memory_space<semaphore_mem>>)
      %dma_wait3A = tpu.memref_slice %arg7[%mul3A_270] : memref<10240xf32, #tpu.memory_space<vmem_shared>> -> memref<640xf32, #tpu.memory_space<vmem_shared>>
      %dma_wait3A_283 = tpu.memref_slice %arg7[%mul3A_270] : memref<10240xf32, #tpu.memory_space<vmem_shared>> -> memref<640xf32, #tpu.memory_space<vmem_shared>>
      tpu.wait_dma2 semaphore(%run_scoped3A_281 : memref<!tpu.dma_semaphore, #tpu.memory_space<semaphore_mem>>) src(%arg6 : memref<640xf32, #tpu.memory_space<vmem>>) dst(%dma_wait3A_283 : memref<640xf32, #tpu.memory_space<vmem_shared>>)
      tpu.yield
    }) : () -> ()
    %barrier3A = arith.constant 0 : index
    tpu.barrier barrier_id(%barrier3A)
    %run_scoped3A = arith.constant 1 : i32
    "tpu.region"() ({
      %run_scoped3A_281 = tpu.sem_alloc : memref<!tpu.dma_semaphore, #tpu.memory_space<semaphore_mem>>
      %dma_start3A = arith.constant 0 : i32
      %dma_start3A_282 = arith.constant 0 : i32
      %dma_start3A_283 = tpu.memref_slice %arg2[%run_scoped3A, %add3A, %dma_start3A, %dma_start3A_282] : memref<2x32x125x80xi32, #tpu.memory_space<hbm>> -> memref<1x1x125x80xi32, #tpu.memory_space<hbm>>
      %dma_start3A_284 = tpu.memref_squeeze %dma_start3A_283 : memref<1x1x125x80xi32, #tpu.memory_space<hbm>> -> memref<125x80xi32, #tpu.memory_space<hbm>>
      %dma_start3A_285 = arith.constant 0 : i32
      %dma_start3A_286 = arith.constant 0 : i32
      %dma_start3A_287 = tpu.memref_slice %arg2[%run_scoped3A, %add3A, %dma_start3A_285, %dma_start3A_286] : memref<2x32x125x80xi32, #tpu.memory_space<hbm>> -> memref<1x1x125x80xi32, #tpu.memory_space<hbm>>
      %dma_start3A_288 = tpu.memref_squeeze %dma_start3A_287 : memref<1x1x125x80xi32, #tpu.memory_space<hbm>> -> memref<125x80xi32, #tpu.memory_space<hbm>>
      tpu.enqueue_dma source(%dma_start3A_288 : memref<125x80xi32, #tpu.memory_space<hbm>>) target(%arg4 : memref<125x80xi32, #tpu.memory_space<vmem>>) target_semaphore(%run_scoped3A_281 : memref<!tpu.dma_semaphore, #tpu.memory_space<semaphore_mem>>)
      %dma_wait3A = arith.constant 0 : i32
      %dma_wait3A_289 = arith.constant 0 : i32
      %dma_wait3A_290 = tpu.memref_slice %arg2[%run_scoped3A, %add3A, %dma_wait3A, %dma_wait3A_289] : memref<2x32x125x80xi32, #tpu.memory_space<hbm>> -> memref<1x1x125x80xi32, #tpu.memory_space<hbm>>
      %dma_wait3A_291 = tpu.memref_squeeze %dma_wait3A_290 : memref<1x1x125x80xi32, #tpu.memory_space<hbm>> -> memref<125x80xi32, #tpu.memory_space<hbm>>
      %dma_wait3A_292 = arith.constant 0 : i32
      %dma_wait3A_293 = arith.constant 0 : i32
      %dma_wait3A_294 = tpu.memref_slice %arg2[%run_scoped3A, %add3A, %dma_wait3A_292, %dma_wait3A_293] : memref<2x32x125x80xi32, #tpu.memory_space<hbm>> -> memref<1x1x125x80xi32, #tpu.memory_space<hbm>>
      %dma_wait3A_295 = tpu.memref_squeeze %dma_wait3A_294 : memref<1x1x125x80xi32, #tpu.memory_space<hbm>> -> memref<125x80xi32, #tpu.memory_space<hbm>>
      tpu.wait_dma2 semaphore(%run_scoped3A_281 : memref<!tpu.dma_semaphore, #tpu.memory_space<semaphore_mem>>) src(%dma_wait3A_295 : memref<125x80xi32, #tpu.memory_space<hbm>>) dst(%arg4 : memref<125x80xi32, #tpu.memory_space<vmem>>)
      tpu.yield
    }) : () -> ()
    %scan3A = arith.constant 0 : i32
    %scan3A_271 = arith.constant 0 : i32
    %scan3A_272 = arith.constant 125 : i32
    %scan3A_273 = arith.addi %scan3A_271, %scan3A_272 : i32
    %scan3A_274 = arith.constant 1 : i32
    scf.for %scan3A_281 = %scan3A_271 to %scan3A_273 step %scan3A_274  : i32 {
      "tpu.region"() ({
        %run_scoped3A_282 = tpu.sem_alloc : memref<!tpu.dma_semaphore, #tpu.memory_space<semaphore_mem>>
        %dma_start3A = arith.constant 0 : i32
        %dma_start3A_283 = tpu.memref_slice %arg4[%scan3A_281, %dma_start3A] : memref<125x80xi32, #tpu.memory_space<vmem>> -> memref<1x80xi32, #tpu.memory_space<vmem>>
        %dma_start3A_284 = tpu.memref_squeeze %dma_start3A_283 : memref<1x80xi32, #tpu.memory_space<vmem>> -> memref<80xi32, #tpu.memory_space<vmem>>
        %dma_start3A_285 = arith.constant 0 : i32
        %dma_start3A_286 = tpu.memref_slice %arg7[%dma_start3A_285] : memref<10240xf32, #tpu.memory_space<vmem_shared>> -> memref<10240xf32, #tpu.memory_space<vmem_shared>>
        tpu.enqueue_indirect_dma source(%arg5 : memref<80xf32, #tpu.memory_space<vmem>>) target(%dma_start3A_286 : memref<10240xf32, #tpu.memory_space<vmem_shared>>) offsets(%dma_start3A_284 : memref<80xi32, #tpu.memory_space<vmem>>) semaphore(%run_scoped3A_282 : memref<!tpu.dma_semaphore, #tpu.memory_space<semaphore_mem>>) {add = true}
        %dma_wait3A = arith.constant 0 : i32
        %dma_wait3A_287 = tpu.memref_slice %arg4[%scan3A_281, %dma_wait3A] : memref<125x80xi32, #tpu.memory_space<vmem>> -> memref<1x80xi32, #tpu.memory_space<vmem>>
        %dma_wait3A_288 = tpu.memref_squeeze %dma_wait3A_287 : memref<1x80xi32, #tpu.memory_space<vmem>> -> memref<80xi32, #tpu.memory_space<vmem>>
        %dma_wait3A_289 = arith.constant 0 : i32
        %dma_wait3A_290 = tpu.memref_slice %arg7[%dma_wait3A_289] : memref<10240xf32, #tpu.memory_space<vmem_shared>> -> memref<10240xf32, #tpu.memory_space<vmem_shared>>
        tpu.wait_indirect_dma semaphore(%run_scoped3A_282 : memref<!tpu.dma_semaphore, #tpu.memory_space<semaphore_mem>>) src(%arg5 : memref<80xf32, #tpu.memory_space<vmem>>) dst(%dma_wait3A_290 : memref<10240xf32, #tpu.memory_space<vmem_shared>>)
        tpu.yield
      }) : () -> ()
    }
    %scan3A_275 = arith.constant 125 : i32
    %barrier3A_276 = arith.constant 0 : index
    tpu.barrier barrier_id(%barrier3A_276)
    %mul3A_277 = arith.constant 640 : i32
    %mul3A_278 = arith.muli %arg1, %mul3A_277 : i32
    %mul3A_279 = arith.constant 640 : i32
    %mul3A_280 = arith.muli %arg1, %mul3A_279 : i32
    "tpu.region"() ({
      %run_scoped3A_281 = tpu.sem_alloc : memref<!tpu.dma_semaphore, #tpu.memory_space<semaphore_mem>>
      %dma_start3A = tpu.memref_slice %arg3[%arg0, %mul3A_280] : memref<2x10240xf32, #tpu.memory_space<hbm>> -> memref<1x640xf32, #tpu.memory_space<hbm>>
      %dma_start3A_282 = tpu.memref_squeeze %dma_start3A : memref<1x640xf32, #tpu.memory_space<hbm>> -> memref<640xf32, #tpu.memory_space<hbm>>
      %dma_start3A_283 = tpu.memref_slice %arg7[%mul3A_278] : memref<10240xf32, #tpu.memory_space<vmem_shared>> -> memref<640xf32, #tpu.memory_space<vmem_shared>>
      tpu.enqueue_dma source(%dma_start3A_283 : memref<640xf32, #tpu.memory_space<vmem_shared>>) target(%dma_start3A_282 : memref<640xf32, #tpu.memory_space<hbm>>) target_semaphore(%run_scoped3A_281 : memref<!tpu.dma_semaphore, #tpu.memory_space<semaphore_mem>>)
      %dma_wait3A = tpu.memref_slice %arg3[%arg0, %mul3A_280] : memref<2x10240xf32, #tpu.memory_space<hbm>> -> memref<1x640xf32, #tpu.memory_space<hbm>>
      %dma_wait3A_284 = tpu.memref_squeeze %dma_wait3A : memref<1x640xf32, #tpu.memory_space<hbm>> -> memref<640xf32, #tpu.memory_space<hbm>>
      %dma_wait3A_285 = tpu.memref_slice %arg7[%mul3A_278] : memref<10240xf32, #tpu.memory_space<vmem_shared>> -> memref<640xf32, #tpu.memory_space<vmem_shared>>
      tpu.wait_dma2 semaphore(%run_scoped3A_281 : memref<!tpu.dma_semaphore, #tpu.memory_space<semaphore_mem>>) src(%dma_wait3A_285 : memref<640xf32, #tpu.memory_space<vmem_shared>>) dst(%dma_wait3A_284 : memref<640xf32, #tpu.memory_space<hbm>>)
      tpu.yield
    }) : () -> ()
    return
  }
}

#map = affine_map<(d0, d1) -> (0, 0, 0, 0)>
#map1 = affine_map<(d0, d1) -> (0, 0)>
#map2 = affine_map<(d0, d1) -> (0, 0, 0)>
module attributes {stable_mosaic.version = 14 : i64} {
  func.func @_sc_scatter_body(%arg0: i32, %arg1: i32, %arg2: memref<2x32x125x80xi32, #tpu.memory_space<hbm>>, %arg3: memref<10000x128xf32, #tpu.memory_space<hbm>>, %arg4: memref<2x10000x128xf32, #tpu.memory_space<hbm>>, %arg5: memref<125x80xi32, #tpu.memory_space<vmem>>, %arg6: memref<1x80xi32, #tpu.memory_space<vmem>>, %arg7: memref<1x80xi32, #tpu.memory_space<vmem>>, %arg8: memref<80x128xf32, #tpu.memory_space<vmem>>, %arg9: memref<80x128xf32, #tpu.memory_space<vmem>>, %arg10: memref<10000x128xf32, #tpu.memory_space<vmem_shared>>, %arg11: memref<!tpu.dma_semaphore, #tpu.memory_space<semaphore_mem>>, %arg12: memref<!tpu.dma_semaphore, #tpu.memory_space<semaphore_mem>>, %arg13: memref<!tpu.dma_semaphore, #tpu.memory_space<semaphore_mem>>, %arg14: memref<!tpu.dma_semaphore, #tpu.memory_space<semaphore_mem>>, %arg15: memref<!tpu.dma_semaphore, #tpu.memory_space<semaphore_mem>>, %arg16: memref<!tpu.dma_semaphore, #tpu.memory_space<semaphore_mem>>) attributes {dimension_semantics = [#tpu.dimension_semantics<core_parallel>, #tpu.dimension_semantics<subcore_parallel>], iteration_bounds = array<i64: 2, 16>, scalar_prefetch = 0 : i64, scratch_operands = 12 : i64, tpu.core_type = #tpu.core_type<sc_vector_subcore>, window_params = [{transform_indices = #map}, {transform_indices = #map1}, {transform_indices = #map2}]} {
    %mul3A = arith.constant 2 : i32
    %mul3A_0 = arith.muli %arg1, %mul3A : i32
    %add3A = arith.addi %mul3A_0, %arg0 : i32
    %scan3A = arith.constant 0 : i32
    %scan3A_1 = arith.constant 0 : i32
    %scan3A_2 = arith.constant 80 : i32
    %scan3A_3 = arith.addi %scan3A_1, %scan3A_2 : i32
    %scan3A_4 = arith.constant 1 : i32
    scf.for %scan3A_192 = %scan3A_1 to %scan3A_3 step %scan3A_4  : i32 {
      %broadcast_in_dim3A = arith.constant 0.000000e+00 : f32
      %broadcast_in_dim3A_193 = vector.broadcast %broadcast_in_dim3A : f32 to vector<16xf32>
      %swap3A = arith.index_cast %scan3A_192 : i32 to index
      %swap3A_194 = arith.constant 0 : index
      %swap3A_195 = tpu.vector_load %arg8[%swap3A, %swap3A_194] {strides = array<i32>} : memref<80x128xf32, #tpu.memory_space<vmem>>, vector<1x16xf32>,
      %swap3A_196 = vector.shape_cast %swap3A_195 : vector<1x16xf32> to vector<16xf32>
      %swap3A_197 = vector.shape_cast %broadcast_in_dim3A_193 : vector<16xf32> to vector<1x16xf32>
      tpu.vector_store %arg8[%swap3A, %swap3A_194], %swap3A_197 {strides = array<i32>} : memref<80x128xf32, #tpu.memory_space<vmem>>, vector<1x16xf32>,
      %broadcast_in_dim3A_198 = arith.constant 0.000000e+00 : f32
      %broadcast_in_dim3A_199 = vector.broadcast %broadcast_in_dim3A_198 : f32 to vector<16xf32>
      %swap3A_200 = arith.index_cast %scan3A_192 : i32 to index
      %swap3A_201 = arith.constant 16 : index
      %swap3A_202 = tpu.vector_load %arg8[%swap3A_200, %swap3A_201] {strides = array<i32>} : memref<80x128xf32, #tpu.memory_space<vmem>>, vector<1x16xf32>,
      %swap3A_203 = vector.shape_cast %swap3A_202 : vector<1x16xf32> to vector<16xf32>
      %swap3A_204 = vector.shape_cast %broadcast_in_dim3A_199 : vector<16xf32> to vector<1x16xf32>
      tpu.vector_store %arg8[%swap3A_200, %swap3A_201], %swap3A_204 {strides = array<i32>} : memref<80x128xf32, #tpu.memory_space<vmem>>, vector<1x16xf32>,
      %broadcast_in_dim3A_205 = arith.constant 0.000000e+00 : f32
      %broadcast_in_dim3A_206 = vector.broadcast %broadcast_in_dim3A_205 : f32 to vector<16xf32>
      %swap3A_207 = arith.index_cast %scan3A_192 : i32 to index
      %swap3A_208 = arith.constant 32 : index
      %swap3A_209 = tpu.vector_load %arg8[%swap3A_207, %swap3A_208] {strides = array<i32>} : memref<80x128xf32, #tpu.memory_space<vmem>>, vector<1x16xf32>,
      %swap3A_210 = vector.shape_cast %swap3A_209 : vector<1x16xf32> to vector<16xf32>
      %swap3A_211 = vector.shape_cast %broadcast_in_dim3A_206 : vector<16xf32> to vector<1x16xf32>
      tpu.vector_store %arg8[%swap3A_207, %swap3A_208], %swap3A_211 {strides = array<i32>} : memref<80x128xf32, #tpu.memory_space<vmem>>, vector<1x16xf32>,
      %broadcast_in_dim3A_212 = arith.constant 0.000000e+00 : f32
      %broadcast_in_dim3A_213 = vector.broadcast %broadcast_in_dim3A_212 : f32 to vector<16xf32>
      %swap3A_214 = arith.index_cast %scan3A_192 : i32 to index
      %swap3A_215 = arith.constant 48 : index
      %swap3A_216 = tpu.vector_load %arg8[%swap3A_214, %swap3A_215] {strides = array<i32>} : memref<80x128xf32, #tpu.memory_space<vmem>>, vector<1x16xf32>,
      %swap3A_217 = vector.shape_cast %swap3A_216 : vector<1x16xf32> to vector<16xf32>
      %swap3A_218 = vector.shape_cast %broadcast_in_dim3A_213 : vector<16xf32> to vector<1x16xf32>
      tpu.vector_store %arg8[%swap3A_214, %swap3A_215], %swap3A_218 {strides = array<i32>} : memref<80x128xf32, #tpu.memory_space<vmem>>, vector<1x16xf32>,
      %broadcast_in_dim3A_219 = arith.constant 0.000000e+00 : f32
      %broadcast_in_dim3A_220 = vector.broadcast %broadcast_in_dim3A_219 : f32 to vector<16xf32>
      %swap3A_221 = arith.index_cast %scan3A_192 : i32 to index
      %swap3A_222 = arith.constant 64 : index
      %swap3A_223 = tpu.vector_load %arg8[%swap3A_221, %swap3A_222] {strides = array<i32>} : memref<80x128xf32, #tpu.memory_space<vmem>>, vector<1x16xf32>,
      %swap3A_224 = vector.shape_cast %swap3A_223 : vector<1x16xf32> to vector<16xf32>
      %swap3A_225 = vector.shape_cast %broadcast_in_dim3A_220 : vector<16xf32> to vector<1x16xf32>
      tpu.vector_store %arg8[%swap3A_221, %swap3A_222], %swap3A_225 {strides = array<i32>} : memref<80x128xf32, #tpu.memory_space<vmem>>, vector<1x16xf32>,
      %broadcast_in_dim3A_226 = arith.constant 0.000000e+00 : f32
      %broadcast_in_dim3A_227 = vector.broadcast %broadcast_in_dim3A_226 : f32 to vector<16xf32>
      %swap3A_228 = arith.index_cast %scan3A_192 : i32 to index
      %swap3A_229 = arith.constant 80 : index
      %swap3A_230 = tpu.vector_load %arg8[%swap3A_228, %swap3A_229] {strides = array<i32>} : memref<80x128xf32, #tpu.memory_space<vmem>>, vector<1x16xf32>,
      %swap3A_231 = vector.shape_cast %swap3A_230 : vector<1x16xf32> to vector<16xf32>
      %swap3A_232 = vector.shape_cast %broadcast_in_dim3A_227 : vector<16xf32> to vector<1x16xf32>
      tpu.vector_store %arg8[%swap3A_228, %swap3A_229], %swap3A_232 {strides = array<i32>} : memref<80x128xf32, #tpu.memory_space<vmem>>, vector<1x16xf32>,
      %broadcast_in_dim3A_233 = arith.constant 0.000000e+00 : f32
      %broadcast_in_dim3A_234 = vector.broadcast %broadcast_in_dim3A_233 : f32 to vector<16xf32>
      %swap3A_235 = arith.index_cast %scan3A_192 : i32 to index
      %swap3A_236 = arith.constant 96 : index
      %swap3A_237 = tpu.vector_load %arg8[%swap3A_235, %swap3A_236] {strides = array<i32>} : memref<80x128xf32, #tpu.memory_space<vmem>>, vector<1x16xf32>,
      %swap3A_238 = vector.shape_cast %swap3A_237 : vector<1x16xf32> to vector<16xf32>
      %swap3A_239 = vector.shape_cast %broadcast_in_dim3A_234 : vector<16xf32> to vector<1x16xf32>
      tpu.vector_store %arg8[%swap3A_235, %swap3A_236], %swap3A_239 {strides = array<i32>} : memref<80x128xf32, #tpu.memory_space<vmem>>, vector<1x16xf32>,
      %broadcast_in_dim3A_240 = arith.constant 0.000000e+00 : f32
      %broadcast_in_dim3A_241 = vector.broadcast %broadcast_in_dim3A_240 : f32 to vector<16xf32>
      %swap3A_242 = arith.index_cast %scan3A_192 : i32 to index
      %swap3A_243 = arith.constant 112 : index
      %swap3A_244 = tpu.vector_load %arg8[%swap3A_242, %swap3A_243] {strides = array<i32>} : memref<80x128xf32, #tpu.memory_space<vmem>>, vector<1x16xf32>,
      %swap3A_245 = vector.shape_cast %swap3A_244 : vector<1x16xf32> to vector<16xf32>
      %swap3A_246 = vector.shape_cast %broadcast_in_dim3A_241 : vector<16xf32> to vector<1x16xf32>
      tpu.vector_store %arg8[%swap3A_242, %swap3A_243], %swap3A_246 {strides = array<i32>} : memref<80x128xf32, #tpu.memory_space<vmem>>, vector<1x16xf32>,
    }
    %scan3A_5 = arith.constant 80 : i32
    %mul3A_6 = arith.constant 624 : i32
    %mul3A_7 = arith.muli %arg1, %mul3A_6 : i32
    %add3A_8 = arith.constant 0 : i32
    %add3A_9 = arith.addi %mul3A_7, %add3A_8 : i32
    "tpu.region"() ({
      %run_scoped3A_192 = tpu.sem_alloc : memref<!tpu.dma_semaphore, #tpu.memory_space<semaphore_mem>>
      %dma_start3A_193 = arith.constant 0 : i32
      %dma_start3A_194 = tpu.memref_slice %arg10[%add3A_9, %dma_start3A_193] : memref<10000x128xf32, #tpu.memory_space<vmem_shared>> -> memref<80x128xf32, #tpu.memory_space<vmem_shared>>
      %dma_start3A_195 = arith.constant 0 : i32
      %dma_start3A_196 = tpu.memref_slice %arg10[%add3A_9, %dma_start3A_195] : memref<10000x128xf32, #tpu.memory_space<vmem_shared>> -> memref<80x128xf32, #tpu.memory_space<vmem_shared>>
      tpu.enqueue_dma source(%arg8 : memref<80x128xf32, #tpu.memory_space<vmem>>) target(%dma_start3A_196 : memref<80x128xf32, #tpu.memory_space<vmem_shared>>) target_semaphore(%run_scoped3A_192 : memref<!tpu.dma_semaphore, #tpu.memory_space<semaphore_mem>>)
      %dma_wait3A_197 = arith.constant 0 : i32
      %dma_wait3A_198 = tpu.memref_slice %arg10[%add3A_9, %dma_wait3A_197] : memref<10000x128xf32, #tpu.memory_space<vmem_shared>> -> memref<80x128xf32, #tpu.memory_space<vmem_shared>>
      %dma_wait3A_199 = arith.constant 0 : i32
      %dma_wait3A_200 = tpu.memref_slice %arg10[%add3A_9, %dma_wait3A_199] : memref<10000x128xf32, #tpu.memory_space<vmem_shared>> -> memref<80x128xf32, #tpu.memory_space<vmem_shared>>
      tpu.wait_dma2 semaphore(%run_scoped3A_192 : memref<!tpu.dma_semaphore, #tpu.memory_space<semaphore_mem>>) src(%arg8 : memref<80x128xf32, #tpu.memory_space<vmem>>) dst(%dma_wait3A_200 : memref<80x128xf32, #tpu.memory_space<vmem_shared>>)
      tpu.yield
    }) : () -> ()
    %mul3A_10 = arith.constant 624 : i32
    %mul3A_11 = arith.muli %arg1, %mul3A_10 : i32
    %add3A_12 = arith.constant 80 : i32
    %add3A_13 = arith.addi %mul3A_11, %add3A_12 : i32
    "tpu.region"() ({
      %run_scoped3A_192 = tpu.sem_alloc : memref<!tpu.dma_semaphore, #tpu.memory_space<semaphore_mem>>
      %dma_start3A_193 = arith.constant 0 : i32
      %dma_start3A_194 = tpu.memref_slice %arg10[%add3A_13, %dma_start3A_193] : memref<10000x128xf32, #tpu.memory_space<vmem_shared>> -> memref<80x128xf32, #tpu.memory_space<vmem_shared>>
      %dma_start3A_195 = arith.constant 0 : i32
      %dma_start3A_196 = tpu.memref_slice %arg10[%add3A_13, %dma_start3A_195] : memref<10000x128xf32, #tpu.memory_space<vmem_shared>> -> memref<80x128xf32, #tpu.memory_space<vmem_shared>>
      tpu.enqueue_dma source(%arg8 : memref<80x128xf32, #tpu.memory_space<vmem>>) target(%dma_start3A_196 : memref<80x128xf32, #tpu.memory_space<vmem_shared>>) target_semaphore(%run_scoped3A_192 : memref<!tpu.dma_semaphore, #tpu.memory_space<semaphore_mem>>)
      %dma_wait3A_197 = arith.constant 0 : i32
      %dma_wait3A_198 = tpu.memref_slice %arg10[%add3A_13, %dma_wait3A_197] : memref<10000x128xf32, #tpu.memory_space<vmem_shared>> -> memref<80x128xf32, #tpu.memory_space<vmem_shared>>
      %dma_wait3A_199 = arith.constant 0 : i32
      %dma_wait3A_200 = tpu.memref_slice %arg10[%add3A_13, %dma_wait3A_199] : memref<10000x128xf32, #tpu.memory_space<vmem_shared>> -> memref<80x128xf32, #tpu.memory_space<vmem_shared>>
      tpu.wait_dma2 semaphore(%run_scoped3A_192 : memref<!tpu.dma_semaphore, #tpu.memory_space<semaphore_mem>>) src(%arg8 : memref<80x128xf32, #tpu.memory_space<vmem>>) dst(%dma_wait3A_200 : memref<80x128xf32, #tpu.memory_space<vmem_shared>>)
      tpu.yield
    }) : () -> ()
    %mul3A_14 = arith.constant 624 : i32
    %mul3A_15 = arith.muli %arg1, %mul3A_14 : i32
    %add3A_16 = arith.constant 160 : i32
    %add3A_17 = arith.addi %mul3A_15, %add3A_16 : i32
    "tpu.region"() ({
      %run_scoped3A_192 = tpu.sem_alloc : memref<!tpu.dma_semaphore, #tpu.memory_space<semaphore_mem>>
      %dma_start3A_193 = arith.constant 0 : i32
      %dma_start3A_194 = tpu.memref_slice %arg10[%add3A_17, %dma_start3A_193] : memref<10000x128xf32, #tpu.memory_space<vmem_shared>> -> memref<80x128xf32, #tpu.memory_space<vmem_shared>>
      %dma_start3A_195 = arith.constant 0 : i32
      %dma_start3A_196 = tpu.memref_slice %arg10[%add3A_17, %dma_start3A_195] : memref<10000x128xf32, #tpu.memory_space<vmem_shared>> -> memref<80x128xf32, #tpu.memory_space<vmem_shared>>
      tpu.enqueue_dma source(%arg8 : memref<80x128xf32, #tpu.memory_space<vmem>>) target(%dma_start3A_196 : memref<80x128xf32, #tpu.memory_space<vmem_shared>>) target_semaphore(%run_scoped3A_192 : memref<!tpu.dma_semaphore, #tpu.memory_space<semaphore_mem>>)
      %dma_wait3A_197 = arith.constant 0 : i32
      %dma_wait3A_198 = tpu.memref_slice %arg10[%add3A_17, %dma_wait3A_197] : memref<10000x128xf32, #tpu.memory_space<vmem_shared>> -> memref<80x128xf32, #tpu.memory_space<vmem_shared>>
      %dma_wait3A_199 = arith.constant 0 : i32
      %dma_wait3A_200 = tpu.memref_slice %arg10[%add3A_17, %dma_wait3A_199] : memref<10000x128xf32, #tpu.memory_space<vmem_shared>> -> memref<80x128xf32, #tpu.memory_space<vmem_shared>>
      tpu.wait_dma2 semaphore(%run_scoped3A_192 : memref<!tpu.dma_semaphore, #tpu.memory_space<semaphore_mem>>) src(%arg8 : memref<80x128xf32, #tpu.memory_space<vmem>>) dst(%dma_wait3A_200 : memref<80x128xf32, #tpu.memory_space<vmem_shared>>)
      tpu.yield
    }) : () -> ()
    %mul3A_18 = arith.constant 624 : i32
    %mul3A_19 = arith.muli %arg1, %mul3A_18 : i32
    %add3A_20 = arith.constant 240 : i32
    %add3A_21 = arith.addi %mul3A_19, %add3A_20 : i32
    "tpu.region"() ({
      %run_scoped3A_192 = tpu.sem_alloc : memref<!tpu.dma_semaphore, #tpu.memory_space<semaphore_mem>>
      %dma_start3A_193 = arith.constant 0 : i32
      %dma_start3A_194 = tpu.memref_slice %arg10[%add3A_21, %dma_start3A_193] : memref<10000x128xf32, #tpu.memory_space<vmem_shared>> -> memref<80x128xf32, #tpu.memory_space<vmem_shared>>
      %dma_start3A_195 = arith.constant 0 : i32
      %dma_start3A_196 = tpu.memref_slice %arg10[%add3A_21, %dma_start3A_195] : memref<10000x128xf32, #tpu.memory_space<vmem_shared>> -> memref<80x128xf32, #tpu.memory_space<vmem_shared>>
      tpu.enqueue_dma source(%arg8 : memref<80x128xf32, #tpu.memory_space<vmem>>) target(%dma_start3A_196 : memref<80x128xf32, #tpu.memory_space<vmem_shared>>) target_semaphore(%run_scoped3A_192 : memref<!tpu.dma_semaphore, #tpu.memory_space<semaphore_mem>>)
      %dma_wait3A_197 = arith.constant 0 : i32
      %dma_wait3A_198 = tpu.memref_slice %arg10[%add3A_21, %dma_wait3A_197] : memref<10000x128xf32, #tpu.memory_space<vmem_shared>> -> memref<80x128xf32, #tpu.memory_space<vmem_shared>>
      %dma_wait3A_199 = arith.constant 0 : i32
      %dma_wait3A_200 = tpu.memref_slice %arg10[%add3A_21, %dma_wait3A_199] : memref<10000x128xf32, #tpu.memory_space<vmem_shared>> -> memref<80x128xf32, #tpu.memory_space<vmem_shared>>
      tpu.wait_dma2 semaphore(%run_scoped3A_192 : memref<!tpu.dma_semaphore, #tpu.memory_space<semaphore_mem>>) src(%arg8 : memref<80x128xf32, #tpu.memory_space<vmem>>) dst(%dma_wait3A_200 : memref<80x128xf32, #tpu.memory_space<vmem_shared>>)
      tpu.yield
    }) : () -> ()
    %mul3A_22 = arith.constant 624 : i32
    %mul3A_23 = arith.muli %arg1, %mul3A_22 : i32
    %add3A_24 = arith.constant 320 : i32
    %add3A_25 = arith.addi %mul3A_23, %add3A_24 : i32
    "tpu.region"() ({
      %run_scoped3A_192 = tpu.sem_alloc : memref<!tpu.dma_semaphore, #tpu.memory_space<semaphore_mem>>
      %dma_start3A_193 = arith.constant 0 : i32
      %dma_start3A_194 = tpu.memref_slice %arg10[%add3A_25, %dma_start3A_193] : memref<10000x128xf32, #tpu.memory_space<vmem_shared>> -> memref<80x128xf32, #tpu.memory_space<vmem_shared>>
      %dma_start3A_195 = arith.constant 0 : i32
      %dma_start3A_196 = tpu.memref_slice %arg10[%add3A_25, %dma_start3A_195] : memref<10000x128xf32, #tpu.memory_space<vmem_shared>> -> memref<80x128xf32, #tpu.memory_space<vmem_shared>>
      tpu.enqueue_dma source(%arg8 : memref<80x128xf32, #tpu.memory_space<vmem>>) target(%dma_start3A_196 : memref<80x128xf32, #tpu.memory_space<vmem_shared>>) target_semaphore(%run_scoped3A_192 : memref<!tpu.dma_semaphore, #tpu.memory_space<semaphore_mem>>)
      %dma_wait3A_197 = arith.constant 0 : i32
      %dma_wait3A_198 = tpu.memref_slice %arg10[%add3A_25, %dma_wait3A_197] : memref<10000x128xf32, #tpu.memory_space<vmem_shared>> -> memref<80x128xf32, #tpu.memory_space<vmem_shared>>
      %dma_wait3A_199 = arith.constant 0 : i32
      %dma_wait3A_200 = tpu.memref_slice %arg10[%add3A_25, %dma_wait3A_199] : memref<10000x128xf32, #tpu.memory_space<vmem_shared>> -> memref<80x128xf32, #tpu.memory_space<vmem_shared>>
      tpu.wait_dma2 semaphore(%run_scoped3A_192 : memref<!tpu.dma_semaphore, #tpu.memory_space<semaphore_mem>>) src(%arg8 : memref<80x128xf32, #tpu.memory_space<vmem>>) dst(%dma_wait3A_200 : memref<80x128xf32, #tpu.memory_space<vmem_shared>>)
      tpu.yield
    }) : () -> ()
    %mul3A_26 = arith.constant 624 : i32
    %mul3A_27 = arith.muli %arg1, %mul3A_26 : i32
    %add3A_28 = arith.constant 400 : i32
    %add3A_29 = arith.addi %mul3A_27, %add3A_28 : i32
    "tpu.region"() ({
      %run_scoped3A_192 = tpu.sem_alloc : memref<!tpu.dma_semaphore, #tpu.memory_space<semaphore_mem>>
      %dma_start3A_193 = arith.constant 0 : i32
      %dma_start3A_194 = tpu.memref_slice %arg10[%add3A_29, %dma_start3A_193] : memref<10000x128xf32, #tpu.memory_space<vmem_shared>> -> memref<80x128xf32, #tpu.memory_space<vmem_shared>>
      %dma_start3A_195 = arith.constant 0 : i32
      %dma_start3A_196 = tpu.memref_slice %arg10[%add3A_29, %dma_start3A_195] : memref<10000x128xf32, #tpu.memory_space<vmem_shared>> -> memref<80x128xf32, #tpu.memory_space<vmem_shared>>
      tpu.enqueue_dma source(%arg8 : memref<80x128xf32, #tpu.memory_space<vmem>>) target(%dma_start3A_196 : memref<80x128xf32, #tpu.memory_space<vmem_shared>>) target_semaphore(%run_scoped3A_192 : memref<!tpu.dma_semaphore, #tpu.memory_space<semaphore_mem>>)
      %dma_wait3A_197 = arith.constant 0 : i32
      %dma_wait3A_198 = tpu.memref_slice %arg10[%add3A_29, %dma_wait3A_197] : memref<10000x128xf32, #tpu.memory_space<vmem_shared>> -> memref<80x128xf32, #tpu.memory_space<vmem_shared>>
      %dma_wait3A_199 = arith.constant 0 : i32
      %dma_wait3A_200 = tpu.memref_slice %arg10[%add3A_29, %dma_wait3A_199] : memref<10000x128xf32, #tpu.memory_space<vmem_shared>> -> memref<80x128xf32, #tpu.memory_space<vmem_shared>>
      tpu.wait_dma2 semaphore(%run_scoped3A_192 : memref<!tpu.dma_semaphore, #tpu.memory_space<semaphore_mem>>) src(%arg8 : memref<80x128xf32, #tpu.memory_space<vmem>>) dst(%dma_wait3A_200 : memref<80x128xf32, #tpu.memory_space<vmem_shared>>)
      tpu.yield
    }) : () -> ()
    %mul3A_30 = arith.constant 624 : i32
    %mul3A_31 = arith.muli %arg1, %mul3A_30 : i32
    %add3A_32 = arith.constant 480 : i32
    %add3A_33 = arith.addi %mul3A_31, %add3A_32 : i32
    "tpu.region"() ({
      %run_scoped3A_192 = tpu.sem_alloc : memref<!tpu.dma_semaphore, #tpu.memory_space<semaphore_mem>>
      %dma_start3A_193 = arith.constant 0 : i32
      %dma_start3A_194 = tpu.memref_slice %arg10[%add3A_33, %dma_start3A_193] : memref<10000x128xf32, #tpu.memory_space<vmem_shared>> -> memref<80x128xf32, #tpu.memory_space<vmem_shared>>
      %dma_start3A_195 = arith.constant 0 : i32
      %dma_start3A_196 = tpu.memref_slice %arg10[%add3A_33, %dma_start3A_195] : memref<10000x128xf32, #tpu.memory_space<vmem_shared>> -> memref<80x128xf32, #tpu.memory_space<vmem_shared>>
      tpu.enqueue_dma source(%arg8 : memref<80x128xf32, #tpu.memory_space<vmem>>) target(%dma_start3A_196 : memref<80x128xf32, #tpu.memory_space<vmem_shared>>) target_semaphore(%run_scoped3A_192 : memref<!tpu.dma_semaphore, #tpu.memory_space<semaphore_mem>>)
      %dma_wait3A_197 = arith.constant 0 : i32
      %dma_wait3A_198 = tpu.memref_slice %arg10[%add3A_33, %dma_wait3A_197] : memref<10000x128xf32, #tpu.memory_space<vmem_shared>> -> memref<80x128xf32, #tpu.memory_space<vmem_shared>>
      %dma_wait3A_199 = arith.constant 0 : i32
      %dma_wait3A_200 = tpu.memref_slice %arg10[%add3A_33, %dma_wait3A_199] : memref<10000x128xf32, #tpu.memory_space<vmem_shared>> -> memref<80x128xf32, #tpu.memory_space<vmem_shared>>
      tpu.wait_dma2 semaphore(%run_scoped3A_192 : memref<!tpu.dma_semaphore, #tpu.memory_space<semaphore_mem>>) src(%arg8 : memref<80x128xf32, #tpu.memory_space<vmem>>) dst(%dma_wait3A_200 : memref<80x128xf32, #tpu.memory_space<vmem_shared>>)
      tpu.yield
    }) : () -> ()
    %mul3A_34 = arith.constant 624 : i32
    %mul3A_35 = arith.muli %arg1, %mul3A_34 : i32
    %add3A_36 = arith.constant 560 : i32
    %add3A_37 = arith.addi %mul3A_35, %add3A_36 : i32
    "tpu.region"() ({
      %run_scoped3A_192 = tpu.sem_alloc : memref<!tpu.dma_semaphore, #tpu.memory_space<semaphore_mem>>
      %dma_start3A_193 = arith.constant 0 : i32
      %dma_start3A_194 = arith.constant 0 : i32
      %dma_start3A_195 = tpu.memref_slice %arg8[%dma_start3A_193, %dma_start3A_194] : memref<80x128xf32, #tpu.memory_space<vmem>> -> memref<64x128xf32, #tpu.memory_space<vmem>>
      %dma_start3A_196 = arith.constant 0 : i32
      %dma_start3A_197 = tpu.memref_slice %arg10[%add3A_37, %dma_start3A_196] : memref<10000x128xf32, #tpu.memory_space<vmem_shared>> -> memref<64x128xf32, #tpu.memory_space<vmem_shared>>
      %dma_start3A_198 = arith.constant 0 : i32
      %dma_start3A_199 = tpu.memref_slice %arg10[%add3A_37, %dma_start3A_198] : memref<10000x128xf32, #tpu.memory_space<vmem_shared>> -> memref<64x128xf32, #tpu.memory_space<vmem_shared>>
      %dma_start3A_200 = arith.constant 0 : i32
      %dma_start3A_201 = arith.constant 0 : i32
      %dma_start3A_202 = tpu.memref_slice %arg8[%dma_start3A_200, %dma_start3A_201] : memref<80x128xf32, #tpu.memory_space<vmem>> -> memref<64x128xf32, #tpu.memory_space<vmem>>
      tpu.enqueue_dma source(%dma_start3A_202 : memref<64x128xf32, #tpu.memory_space<vmem>>) target(%dma_start3A_199 : memref<64x128xf32, #tpu.memory_space<vmem_shared>>) target_semaphore(%run_scoped3A_192 : memref<!tpu.dma_semaphore, #tpu.memory_space<semaphore_mem>>)
      %dma_wait3A_203 = arith.constant 0 : i32
      %dma_wait3A_204 = arith.constant 0 : i32
      %dma_wait3A_205 = tpu.memref_slice %arg8[%dma_wait3A_203, %dma_wait3A_204] : memref<80x128xf32, #tpu.memory_space<vmem>> -> memref<64x128xf32, #tpu.memory_space<vmem>>
      %dma_wait3A_206 = arith.constant 0 : i32
      %dma_wait3A_207 = tpu.memref_slice %arg10[%add3A_37, %dma_wait3A_206] : memref<10000x128xf32, #tpu.memory_space<vmem_shared>> -> memref<64x128xf32, #tpu.memory_space<vmem_shared>>
      %dma_wait3A_208 = arith.constant 0 : i32
      %dma_wait3A_209 = tpu.memref_slice %arg10[%add3A_37, %dma_wait3A_208] : memref<10000x128xf32, #tpu.memory_space<vmem_shared>> -> memref<64x128xf32, #tpu.memory_space<vmem_shared>>
      %dma_wait3A_210 = arith.constant 0 : i32
      %dma_wait3A_211 = arith.constant 0 : i32
      %dma_wait3A_212 = tpu.memref_slice %arg8[%dma_wait3A_210, %dma_wait3A_211] : memref<80x128xf32, #tpu.memory_space<vmem>> -> memref<64x128xf32, #tpu.memory_space<vmem>>
      tpu.wait_dma2 semaphore(%run_scoped3A_192 : memref<!tpu.dma_semaphore, #tpu.memory_space<semaphore_mem>>) src(%dma_wait3A_212 : memref<64x128xf32, #tpu.memory_space<vmem>>) dst(%dma_wait3A_209 : memref<64x128xf32, #tpu.memory_space<vmem_shared>>)
      tpu.yield
    }) : () -> ()
    %eq3A = arith.constant 15 : i32
    %eq3A_38 = arith.cmpi eq, %arg1, %eq3A : i32
    %convert_element_type3A = arith.extui %eq3A_38 : i1 to i32
    %cond3A = arith.constant 0 : i32
    %cond3A_39 = arith.cmpi ne, %convert_element_type3A, %cond3A : i32
    scf.if %cond3A_39 {
      "tpu.region"() ({
        %run_scoped3A_192 = tpu.sem_alloc : memref<!tpu.dma_semaphore, #tpu.memory_space<semaphore_mem>>
        %dma_start3A_193 = arith.constant 0 : i32
        %dma_start3A_194 = arith.constant 0 : i32
        %dma_start3A_195 = tpu.memref_slice %arg8[%dma_start3A_193, %dma_start3A_194] : memref<80x128xf32, #tpu.memory_space<vmem>> -> memref<16x128xf32, #tpu.memory_space<vmem>>
        %dma_start3A_196 = arith.constant 9984 : i32
        %dma_start3A_197 = arith.constant 0 : i32
        %dma_start3A_198 = tpu.memref_slice %arg10[%dma_start3A_196, %dma_start3A_197] : memref<10000x128xf32, #tpu.memory_space<vmem_shared>> -> memref<16x128xf32, #tpu.memory_space<vmem_shared>>
        %dma_start3A_199 = arith.constant 9984 : i32
        %dma_start3A_200 = arith.constant 0 : i32
        %dma_start3A_201 = tpu.memref_slice %arg10[%dma_start3A_199, %dma_start3A_200] : memref<10000x128xf32, #tpu.memory_space<vmem_shared>> -> memref<16x128xf32, #tpu.memory_space<vmem_shared>>
        %dma_start3A_202 = arith.constant 0 : i32
        %dma_start3A_203 = arith.constant 0 : i32
        %dma_start3A_204 = tpu.memref_slice %arg8[%dma_start3A_202, %dma_start3A_203] : memref<80x128xf32, #tpu.memory_space<vmem>> -> memref<16x128xf32, #tpu.memory_space<vmem>>
        tpu.enqueue_dma source(%dma_start3A_204 : memref<16x128xf32, #tpu.memory_space<vmem>>) target(%dma_start3A_201 : memref<16x128xf32, #tpu.memory_space<vmem_shared>>) target_semaphore(%run_scoped3A_192 : memref<!tpu.dma_semaphore, #tpu.memory_space<semaphore_mem>>)
        %dma_wait3A_205 = arith.constant 0 : i32
        %dma_wait3A_206 = arith.constant 0 : i32
        %dma_wait3A_207 = tpu.memref_slice %arg8[%dma_wait3A_205, %dma_wait3A_206] : memref<80x128xf32, #tpu.memory_space<vmem>> -> memref<16x128xf32, #tpu.memory_space<vmem>>
        %dma_wait3A_208 = arith.constant 9984 : i32
        %dma_wait3A_209 = arith.constant 0 : i32
        %dma_wait3A_210 = tpu.memref_slice %arg10[%dma_wait3A_208, %dma_wait3A_209] : memref<10000x128xf32, #tpu.memory_space<vmem_shared>> -> memref<16x128xf32, #tpu.memory_space<vmem_shared>>
        %dma_wait3A_211 = arith.constant 9984 : i32
        %dma_wait3A_212 = arith.constant 0 : i32
        %dma_wait3A_213 = tpu.memref_slice %arg10[%dma_wait3A_211, %dma_wait3A_212] : memref<10000x128xf32, #tpu.memory_space<vmem_shared>> -> memref<16x128xf32, #tpu.memory_space<vmem_shared>>
        %dma_wait3A_214 = arith.constant 0 : i32
        %dma_wait3A_215 = arith.constant 0 : i32
        %dma_wait3A_216 = tpu.memref_slice %arg8[%dma_wait3A_214, %dma_wait3A_215] : memref<80x128xf32, #tpu.memory_space<vmem>> -> memref<16x128xf32, #tpu.memory_space<vmem>>
        tpu.wait_dma2 semaphore(%run_scoped3A_192 : memref<!tpu.dma_semaphore, #tpu.memory_space<semaphore_mem>>) src(%dma_wait3A_216 : memref<16x128xf32, #tpu.memory_space<vmem>>) dst(%dma_wait3A_213 : memref<16x128xf32, #tpu.memory_space<vmem_shared>>)
        tpu.yield
      }) : () -> ()
    } else {
    }
    %barrier3A = arith.constant 0 : index
    tpu.barrier barrier_id(%barrier3A)
    %run_scoped3A = arith.constant 1 : i32
    "tpu.region"() ({
      %run_scoped3A_192 = tpu.sem_alloc : memref<!tpu.dma_semaphore, #tpu.memory_space<semaphore_mem>>
      %dma_start3A_193 = arith.constant 0 : i32
      %dma_start3A_194 = arith.constant 0 : i32
      %dma_start3A_195 = tpu.memref_slice %arg2[%run_scoped3A, %add3A, %dma_start3A_193, %dma_start3A_194] : memref<2x32x125x80xi32, #tpu.memory_space<hbm>> -> memref<1x1x125x80xi32, #tpu.memory_space<hbm>>
      %dma_start3A_196 = tpu.memref_squeeze %dma_start3A_195 : memref<1x1x125x80xi32, #tpu.memory_space<hbm>> -> memref<125x80xi32, #tpu.memory_space<hbm>>
      %dma_start3A_197 = arith.constant 0 : i32
      %dma_start3A_198 = arith.constant 0 : i32
      %dma_start3A_199 = tpu.memref_slice %arg2[%run_scoped3A, %add3A, %dma_start3A_197, %dma_start3A_198] : memref<2x32x125x80xi32, #tpu.memory_space<hbm>> -> memref<1x1x125x80xi32, #tpu.memory_space<hbm>>
      %dma_start3A_200 = tpu.memref_squeeze %dma_start3A_199 : memref<1x1x125x80xi32, #tpu.memory_space<hbm>> -> memref<125x80xi32, #tpu.memory_space<hbm>>
      tpu.enqueue_dma source(%dma_start3A_200 : memref<125x80xi32, #tpu.memory_space<hbm>>) target(%arg5 : memref<125x80xi32, #tpu.memory_space<vmem>>) target_semaphore(%run_scoped3A_192 : memref<!tpu.dma_semaphore, #tpu.memory_space<semaphore_mem>>)
      %dma_wait3A_201 = arith.constant 0 : i32
      %dma_wait3A_202 = arith.constant 0 : i32
      %dma_wait3A_203 = tpu.memref_slice %arg2[%run_scoped3A, %add3A, %dma_wait3A_201, %dma_wait3A_202] : memref<2x32x125x80xi32, #tpu.memory_space<hbm>> -> memref<1x1x125x80xi32, #tpu.memory_space<hbm>>
      %dma_wait3A_204 = tpu.memref_squeeze %dma_wait3A_203 : memref<1x1x125x80xi32, #tpu.memory_space<hbm>> -> memref<125x80xi32, #tpu.memory_space<hbm>>
      %dma_wait3A_205 = arith.constant 0 : i32
      %dma_wait3A_206 = arith.constant 0 : i32
      %dma_wait3A_207 = tpu.memref_slice %arg2[%run_scoped3A, %add3A, %dma_wait3A_205, %dma_wait3A_206] : memref<2x32x125x80xi32, #tpu.memory_space<hbm>> -> memref<1x1x125x80xi32, #tpu.memory_space<hbm>>
      %dma_wait3A_208 = tpu.memref_squeeze %dma_wait3A_207 : memref<1x1x125x80xi32, #tpu.memory_space<hbm>> -> memref<125x80xi32, #tpu.memory_space<hbm>>
      tpu.wait_dma2 semaphore(%run_scoped3A_192 : memref<!tpu.dma_semaphore, #tpu.memory_space<semaphore_mem>>) src(%dma_wait3A_208 : memref<125x80xi32, #tpu.memory_space<hbm>>) dst(%arg5 : memref<125x80xi32, #tpu.memory_space<vmem>>)
      tpu.yield
    }) : () -> ()
    %dma_start3A = arith.constant 0 : i32
    %dma_start3A_40 = arith.constant 0 : i32
    %dma_start3A_41 = arith.constant 0 : i32
    %dma_start3A_42 = tpu.memref_slice %arg2[%dma_start3A, %add3A, %dma_start3A_40, %dma_start3A_41] : memref<2x32x125x80xi32, #tpu.memory_space<hbm>> -> memref<1x1x1x80xi32, #tpu.memory_space<hbm>>
    %dma_start3A_43 = tpu.memref_squeeze %dma_start3A_42 : memref<1x1x1x80xi32, #tpu.memory_space<hbm>> -> memref<1x80xi32, #tpu.memory_space<hbm>>
    %dma_start3A_44 = arith.constant 0 : i32
    %dma_start3A_45 = arith.constant 0 : i32
    %dma_start3A_46 = tpu.memref_slice %arg2[%dma_start3A, %add3A, %dma_start3A_44, %dma_start3A_45] : memref<2x32x125x80xi32, #tpu.memory_space<hbm>> -> memref<1x1x1x80xi32, #tpu.memory_space<hbm>>
    %dma_start3A_47 = tpu.memref_squeeze %dma_start3A_46 : memref<1x1x1x80xi32, #tpu.memory_space<hbm>> -> memref<1x80xi32, #tpu.memory_space<hbm>>
    tpu.enqueue_dma source(%dma_start3A_47 : memref<1x80xi32, #tpu.memory_space<hbm>>) target(%arg6 : memref<1x80xi32, #tpu.memory_space<vmem>>) target_semaphore(%arg11 : memref<!tpu.dma_semaphore, #tpu.memory_space<semaphore_mem>>)
    %dma_wait3A = arith.constant 0 : i32
    %dma_wait3A_48 = arith.constant 0 : i32
    %dma_wait3A_49 = arith.constant 0 : i32
    %dma_wait3A_50 = tpu.memref_slice %arg2[%dma_wait3A, %add3A, %dma_wait3A_48, %dma_wait3A_49] : memref<2x32x125x80xi32, #tpu.memory_space<hbm>> -> memref<1x1x1x80xi32, #tpu.memory_space<hbm>>
    %dma_wait3A_51 = tpu.memref_squeeze %dma_wait3A_50 : memref<1x1x1x80xi32, #tpu.memory_space<hbm>> -> memref<1x80xi32, #tpu.memory_space<hbm>>
    %dma_wait3A_52 = arith.constant 0 : i32
    %dma_wait3A_53 = arith.constant 0 : i32
    %dma_wait3A_54 = tpu.memref_slice %arg2[%dma_wait3A, %add3A, %dma_wait3A_52, %dma_wait3A_53] : memref<2x32x125x80xi32, #tpu.memory_space<hbm>> -> memref<1x1x1x80xi32, #tpu.memory_space<hbm>>
    %dma_wait3A_55 = tpu.memref_squeeze %dma_wait3A_54 : memref<1x1x1x80xi32, #tpu.memory_space<hbm>> -> memref<1x80xi32, #tpu.memory_space<hbm>>
    tpu.wait_dma2 semaphore(%arg11 : memref<!tpu.dma_semaphore, #tpu.memory_space<semaphore_mem>>) src(%dma_wait3A_55 : memref<1x80xi32, #tpu.memory_space<hbm>>) dst(%arg6 : memref<1x80xi32, #tpu.memory_space<vmem>>)
    %dma_start3A_56 = arith.constant 0 : i32
    %dma_start3A_57 = arith.constant 0 : i32
    %dma_start3A_58 = tpu.memref_slice %arg6[%dma_start3A_56, %dma_start3A_57] : memref<1x80xi32, #tpu.memory_space<vmem>> -> memref<1x80xi32, #tpu.memory_space<vmem>>
    %dma_start3A_59 = tpu.memref_squeeze %dma_start3A_58 : memref<1x80xi32, #tpu.memory_space<vmem>> -> memref<80xi32, #tpu.memory_space<vmem>>
    %dma_start3A_60 = arith.constant 0 : i32
    %dma_start3A_61 = arith.constant 0 : i32
    %dma_start3A_62 = tpu.memref_slice %arg3[%dma_start3A_60, %dma_start3A_61] : memref<10000x128xf32, #tpu.memory_space<hbm>> -> memref<10000x128xf32, #tpu.memory_space<hbm>>
    tpu.enqueue_indirect_dma source(%dma_start3A_62 : memref<10000x128xf32, #tpu.memory_space<hbm>>) target(%arg8 : memref<80x128xf32, #tpu.memory_space<vmem>>) offsets(%dma_start3A_59 : memref<80xi32, #tpu.memory_space<vmem>>) semaphore(%arg13 : memref<!tpu.dma_semaphore, #tpu.memory_space<semaphore_mem>>)
    %dma_start3A_63 = arith.constant 0 : i32
    %dma_start3A_64 = arith.constant 1 : i32
    %dma_start3A_65 = arith.constant 0 : i32
    %dma_start3A_66 = tpu.memref_slice %arg2[%dma_start3A_63, %add3A, %dma_start3A_64, %dma_start3A_65] : memref<2x32x125x80xi32, #tpu.memory_space<hbm>> -> memref<1x1x1x80xi32, #tpu.memory_space<hbm>>
    %dma_start3A_67 = tpu.memref_squeeze %dma_start3A_66 : memref<1x1x1x80xi32, #tpu.memory_space<hbm>> -> memref<1x80xi32, #tpu.memory_space<hbm>>
    %dma_start3A_68 = arith.constant 1 : i32
    %dma_start3A_69 = arith.constant 0 : i32
    %dma_start3A_70 = tpu.memref_slice %arg2[%dma_start3A_63, %add3A, %dma_start3A_68, %dma_start3A_69] : memref<2x32x125x80xi32, #tpu.memory_space<hbm>> -> memref<1x1x1x80xi32, #tpu.memory_space<hbm>>
    %dma_start3A_71 = tpu.memref_squeeze %dma_start3A_70 : memref<1x1x1x80xi32, #tpu.memory_space<hbm>> -> memref<1x80xi32, #tpu.memory_space<hbm>>
    tpu.enqueue_dma source(%dma_start3A_71 : memref<1x80xi32, #tpu.memory_space<hbm>>) target(%arg7 : memref<1x80xi32, #tpu.memory_space<vmem>>) target_semaphore(%arg12 : memref<!tpu.dma_semaphore, #tpu.memory_space<semaphore_mem>>)
    %dma_wait3A_72 = arith.constant 0 : i32
    %dma_wait3A_73 = arith.constant 1 : i32
    %dma_wait3A_74 = arith.constant 0 : i32
    %dma_wait3A_75 = tpu.memref_slice %arg2[%dma_wait3A_72, %add3A, %dma_wait3A_73, %dma_wait3A_74] : memref<2x32x125x80xi32, #tpu.memory_space<hbm>> -> memref<1x1x1x80xi32, #tpu.memory_space<hbm>>
    %dma_wait3A_76 = tpu.memref_squeeze %dma_wait3A_75 : memref<1x1x1x80xi32, #tpu.memory_space<hbm>> -> memref<1x80xi32, #tpu.memory_space<hbm>>
    %dma_wait3A_77 = arith.constant 1 : i32
    %dma_wait3A_78 = arith.constant 0 : i32
    %dma_wait3A_79 = tpu.memref_slice %arg2[%dma_wait3A_72, %add3A, %dma_wait3A_77, %dma_wait3A_78] : memref<2x32x125x80xi32, #tpu.memory_space<hbm>> -> memref<1x1x1x80xi32, #tpu.memory_space<hbm>>
    %dma_wait3A_80 = tpu.memref_squeeze %dma_wait3A_79 : memref<1x1x1x80xi32, #tpu.memory_space<hbm>> -> memref<1x80xi32, #tpu.memory_space<hbm>>
    tpu.wait_dma2 semaphore(%arg12 : memref<!tpu.dma_semaphore, #tpu.memory_space<semaphore_mem>>) src(%dma_wait3A_80 : memref<1x80xi32, #tpu.memory_space<hbm>>) dst(%arg7 : memref<1x80xi32, #tpu.memory_space<vmem>>)
    %dma_start3A_81 = arith.constant 0 : i32
    %dma_start3A_82 = arith.constant 0 : i32
    %dma_start3A_83 = tpu.memref_slice %arg7[%dma_start3A_81, %dma_start3A_82] : memref<1x80xi32, #tpu.memory_space<vmem>> -> memref<1x80xi32, #tpu.memory_space<vmem>>
    %dma_start3A_84 = tpu.memref_squeeze %dma_start3A_83 : memref<1x80xi32, #tpu.memory_space<vmem>> -> memref<80xi32, #tpu.memory_space<vmem>>
    %dma_start3A_85 = arith.constant 0 : i32
    %dma_start3A_86 = arith.constant 0 : i32
    %dma_start3A_87 = tpu.memref_slice %arg3[%dma_start3A_85, %dma_start3A_86] : memref<10000x128xf32, #tpu.memory_space<hbm>> -> memref<10000x128xf32, #tpu.memory_space<hbm>>
    tpu.enqueue_indirect_dma source(%dma_start3A_87 : memref<10000x128xf32, #tpu.memory_space<hbm>>) target(%arg9 : memref<80x128xf32, #tpu.memory_space<vmem>>) offsets(%dma_start3A_84 : memref<80xi32, #tpu.memory_space<vmem>>) semaphore(%arg14 : memref<!tpu.dma_semaphore, #tpu.memory_space<semaphore_mem>>)
    %dma_wait3A_88 = arith.constant 0 : i32
    %dma_wait3A_89 = arith.constant 0 : i32
    %dma_wait3A_90 = tpu.memref_slice %arg6[%dma_wait3A_88, %dma_wait3A_89] : memref<1x80xi32, #tpu.memory_space<vmem>> -> memref<1x80xi32, #tpu.memory_space<vmem>>
    %dma_wait3A_91 = tpu.memref_squeeze %dma_wait3A_90 : memref<1x80xi32, #tpu.memory_space<vmem>> -> memref<80xi32, #tpu.memory_space<vmem>>
    %dma_wait3A_92 = arith.constant 0 : i32
    %dma_wait3A_93 = arith.constant 0 : i32
    %dma_wait3A_94 = tpu.memref_slice %arg3[%dma_wait3A_92, %dma_wait3A_93] : memref<10000x128xf32, #tpu.memory_space<hbm>> -> memref<10000x128xf32, #tpu.memory_space<hbm>>
    tpu.wait_indirect_dma semaphore(%arg13 : memref<!tpu.dma_semaphore, #tpu.memory_space<semaphore_mem>>) src(%dma_wait3A_94 : memref<10000x128xf32, #tpu.memory_space<hbm>>) dst(%arg8 : memref<80x128xf32, #tpu.memory_space<vmem>>)
    %dma_start3A_95 = arith.constant 0 : i32
    %dma_start3A_96 = arith.constant 2 : i32
    %dma_start3A_97 = arith.constant 0 : i32
    %dma_start3A_98 = tpu.memref_slice %arg2[%dma_start3A_95, %add3A, %dma_start3A_96, %dma_start3A_97] : memref<2x32x125x80xi32, #tpu.memory_space<hbm>> -> memref<1x1x1x80xi32, #tpu.memory_space<hbm>>
    %dma_start3A_99 = tpu.memref_squeeze %dma_start3A_98 : memref<1x1x1x80xi32, #tpu.memory_space<hbm>> -> memref<1x80xi32, #tpu.memory_space<hbm>>
    %dma_start3A_100 = arith.constant 2 : i32
    %dma_start3A_101 = arith.constant 0 : i32
    %dma_start3A_102 = tpu.memref_slice %arg2[%dma_start3A_95, %add3A, %dma_start3A_100, %dma_start3A_101] : memref<2x32x125x80xi32, #tpu.memory_space<hbm>> -> memref<1x1x1x80xi32, #tpu.memory_space<hbm>>
    %dma_start3A_103 = tpu.memref_squeeze %dma_start3A_102 : memref<1x1x1x80xi32, #tpu.memory_space<hbm>> -> memref<1x80xi32, #tpu.memory_space<hbm>>
    tpu.enqueue_dma source(%dma_start3A_103 : memref<1x80xi32, #tpu.memory_space<hbm>>) target(%arg6 : memref<1x80xi32, #tpu.memory_space<vmem>>) target_semaphore(%arg11 : memref<!tpu.dma_semaphore, #tpu.memory_space<semaphore_mem>>)
    %dma_start3A_104 = arith.constant 0 : i32
    %dma_start3A_105 = arith.constant 0 : i32
    %dma_start3A_106 = tpu.memref_slice %arg5[%dma_start3A_104, %dma_start3A_105] : memref<125x80xi32, #tpu.memory_space<vmem>> -> memref<1x80xi32, #tpu.memory_space<vmem>>
    %dma_start3A_107 = tpu.memref_squeeze %dma_start3A_106 : memref<1x80xi32, #tpu.memory_space<vmem>> -> memref<80xi32, #tpu.memory_space<vmem>>
    %dma_start3A_108 = arith.constant 0 : i32
    %dma_start3A_109 = arith.constant 0 : i32
    %dma_start3A_110 = tpu.memref_slice %arg10[%dma_start3A_108, %dma_start3A_109] : memref<10000x128xf32, #tpu.memory_space<vmem_shared>> -> memref<10000x128xf32, #tpu.memory_space<vmem_shared>>
    tpu.enqueue_indirect_dma source(%arg8 : memref<80x128xf32, #tpu.memory_space<vmem>>) target(%dma_start3A_110 : memref<10000x128xf32, #tpu.memory_space<vmem_shared>>) offsets(%dma_start3A_107 : memref<80xi32, #tpu.memory_space<vmem>>) semaphore(%arg15 : memref<!tpu.dma_semaphore, #tpu.memory_space<semaphore_mem>>) {add = true}
    %scan3A_111 = arith.constant 0 : i32
    %scan3A_112 = arith.constant 0 : i32
    %scan3A_113 = arith.constant 61 : i32
    %scan3A_114 = arith.addi %scan3A_112, %scan3A_113 : i32
    %scan3A_115 = arith.constant 1 : i32
    scf.for %scan3A_192 = %scan3A_112 to %scan3A_114 step %scan3A_115  : i32 {
      %mul3A_193 = arith.constant 2 : i32
      %mul3A_194 = arith.muli %mul3A_193, %scan3A_192 : i32
      %add3A_195 = arith.constant 1 : i32
      %add3A_196 = arith.addi %mul3A_194, %add3A_195 : i32
      %add3A_197 = arith.constant 1 : i32
      %add3A_198 = arith.addi %add3A_196, %add3A_197 : i32
      %dma_wait3A_199 = arith.constant 0 : i32
      %dma_wait3A_200 = arith.constant 0 : i32
      %dma_wait3A_201 = tpu.memref_slice %arg2[%dma_wait3A_199, %add3A, %add3A_198, %dma_wait3A_200] : memref<2x32x125x80xi32, #tpu.memory_space<hbm>> -> memref<1x1x1x80xi32, #tpu.memory_space<hbm>>
      %dma_wait3A_202 = tpu.memref_squeeze %dma_wait3A_201 : memref<1x1x1x80xi32, #tpu.memory_space<hbm>> -> memref<1x80xi32, #tpu.memory_space<hbm>>
      %dma_wait3A_203 = arith.constant 0 : i32
      %dma_wait3A_204 = tpu.memref_slice %arg2[%dma_wait3A_199, %add3A, %add3A_198, %dma_wait3A_203] : memref<2x32x125x80xi32, #tpu.memory_space<hbm>> -> memref<1x1x1x80xi32, #tpu.memory_space<hbm>>
      %dma_wait3A_205 = tpu.memref_squeeze %dma_wait3A_204 : memref<1x1x1x80xi32, #tpu.memory_space<hbm>> -> memref<1x80xi32, #tpu.memory_space<hbm>>
      tpu.wait_dma2 semaphore(%arg11 : memref<!tpu.dma_semaphore, #tpu.memory_space<semaphore_mem>>) src(%dma_wait3A_205 : memref<1x80xi32, #tpu.memory_space<hbm>>) dst(%arg6 : memref<1x80xi32, #tpu.memory_space<vmem>>)
      %sub3A = arith.constant 1 : i32
      %sub3A_206 = arith.subi %add3A_196, %sub3A : i32
      %dma_wait3A_207 = arith.constant 0 : i32
      %dma_wait3A_208 = tpu.memref_slice %arg5[%sub3A_206, %dma_wait3A_207] : memref<125x80xi32, #tpu.memory_space<vmem>> -> memref<1x80xi32, #tpu.memory_space<vmem>>
      %dma_wait3A_209 = tpu.memref_squeeze %dma_wait3A_208 : memref<1x80xi32, #tpu.memory_space<vmem>> -> memref<80xi32, #tpu.memory_space<vmem>>
      %dma_wait3A_210 = arith.constant 0 : i32
      %dma_wait3A_211 = arith.constant 0 : i32
      %dma_wait3A_212 = tpu.memref_slice %arg10[%dma_wait3A_210, %dma_wait3A_211] : memref<10000x128xf32, #tpu.memory_space<vmem_shared>> -> memref<10000x128xf32, #tpu.memory_space<vmem_shared>>
      tpu.wait_indirect_dma semaphore(%arg15 : memref<!tpu.dma_semaphore, #tpu.memory_space<semaphore_mem>>) src(%arg8 : memref<80x128xf32, #tpu.memory_space<vmem>>) dst(%dma_wait3A_212 : memref<10000x128xf32, #tpu.memory_space<vmem_shared>>)
      %dma_start3A_213 = arith.constant 0 : i32
      %dma_start3A_214 = arith.constant 0 : i32
      %dma_start3A_215 = tpu.memref_slice %arg6[%dma_start3A_213, %dma_start3A_214] : memref<1x80xi32, #tpu.memory_space<vmem>> -> memref<1x80xi32, #tpu.memory_space<vmem>>
      %dma_start3A_216 = tpu.memref_squeeze %dma_start3A_215 : memref<1x80xi32, #tpu.memory_space<vmem>> -> memref<80xi32, #tpu.memory_space<vmem>>
      %dma_start3A_217 = arith.constant 0 : i32
      %dma_start3A_218 = arith.constant 0 : i32
      %dma_start3A_219 = tpu.memref_slice %arg3[%dma_start3A_217, %dma_start3A_218] : memref<10000x128xf32, #tpu.memory_space<hbm>> -> memref<10000x128xf32, #tpu.memory_space<hbm>>
      tpu.enqueue_indirect_dma source(%dma_start3A_219 : memref<10000x128xf32, #tpu.memory_space<hbm>>) target(%arg8 : memref<80x128xf32, #tpu.memory_space<vmem>>) offsets(%dma_start3A_216 : memref<80xi32, #tpu.memory_space<vmem>>) semaphore(%arg13 : memref<!tpu.dma_semaphore, #tpu.memory_space<semaphore_mem>>)
      %dma_wait3A_220 = arith.constant 0 : i32
      %dma_wait3A_221 = arith.constant 0 : i32
      %dma_wait3A_222 = tpu.memref_slice %arg7[%dma_wait3A_220, %dma_wait3A_221] : memref<1x80xi32, #tpu.memory_space<vmem>> -> memref<1x80xi32, #tpu.memory_space<vmem>>
      %dma_wait3A_223 = tpu.memref_squeeze %dma_wait3A_222 : memref<1x80xi32, #tpu.memory_space<vmem>> -> memref<80xi32, #tpu.memory_space<vmem>>
      %dma_wait3A_224 = arith.constant 0 : i32
      %dma_wait3A_225 = arith.constant 0 : i32
      %dma_wait3A_226 = tpu.memref_slice %arg3[%dma_wait3A_224, %dma_wait3A_225] : memref<10000x128xf32, #tpu.memory_space<hbm>> -> memref<10000x128xf32, #tpu.memory_space<hbm>>
      tpu.wait_indirect_dma semaphore(%arg14 : memref<!tpu.dma_semaphore, #tpu.memory_space<semaphore_mem>>) src(%dma_wait3A_226 : memref<10000x128xf32, #tpu.memory_space<hbm>>) dst(%arg9 : memref<80x128xf32, #tpu.memory_space<vmem>>)
      %add3A_227 = arith.constant 2 : i32
      %add3A_228 = arith.addi %add3A_196, %add3A_227 : i32
      %dma_start3A_229 = arith.constant 0 : i32
      %dma_start3A_230 = arith.constant 0 : i32
      %dma_start3A_231 = tpu.memref_slice %arg2[%dma_start3A_229, %add3A, %add3A_228, %dma_start3A_230] : memref<2x32x125x80xi32, #tpu.memory_space<hbm>> -> memref<1x1x1x80xi32, #tpu.memory_space<hbm>>
      %dma_start3A_232 = tpu.memref_squeeze %dma_start3A_231 : memref<1x1x1x80xi32, #tpu.memory_space<hbm>> -> memref<1x80xi32, #tpu.memory_space<hbm>>
      %dma_start3A_233 = arith.constant 0 : i32
      %dma_start3A_234 = tpu.memref_slice %arg2[%dma_start3A_229, %add3A, %add3A_228, %dma_start3A_233] : memref<2x32x125x80xi32, #tpu.memory_space<hbm>> -> memref<1x1x1x80xi32, #tpu.memory_space<hbm>>
      %dma_start3A_235 = tpu.memref_squeeze %dma_start3A_234 : memref<1x1x1x80xi32, #tpu.memory_space<hbm>> -> memref<1x80xi32, #tpu.memory_space<hbm>>
      tpu.enqueue_dma source(%dma_start3A_235 : memref<1x80xi32, #tpu.memory_space<hbm>>) target(%arg7 : memref<1x80xi32, #tpu.memory_space<vmem>>) target_semaphore(%arg12 : memref<!tpu.dma_semaphore, #tpu.memory_space<semaphore_mem>>)
      %dma_start3A_236 = arith.constant 0 : i32
      %dma_start3A_237 = tpu.memref_slice %arg5[%add3A_196, %dma_start3A_236] : memref<125x80xi32, #tpu.memory_space<vmem>> -> memref<1x80xi32, #tpu.memory_space<vmem>>
      %dma_start3A_238 = tpu.memref_squeeze %dma_start3A_237 : memref<1x80xi32, #tpu.memory_space<vmem>> -> memref<80xi32, #tpu.memory_space<vmem>>
      %dma_start3A_239 = arith.constant 0 : i32
      %dma_start3A_240 = arith.constant 0 : i32
      %dma_start3A_241 = tpu.memref_slice %arg10[%dma_start3A_239, %dma_start3A_240] : memref<10000x128xf32, #tpu.memory_space<vmem_shared>> -> memref<10000x128xf32, #tpu.memory_space<vmem_shared>>
      tpu.enqueue_indirect_dma source(%arg9 : memref<80x128xf32, #tpu.memory_space<vmem>>) target(%dma_start3A_241 : memref<10000x128xf32, #tpu.memory_space<vmem_shared>>) offsets(%dma_start3A_238 : memref<80xi32, #tpu.memory_space<vmem>>) semaphore(%arg16 : memref<!tpu.dma_semaphore, #tpu.memory_space<semaphore_mem>>) {add = true}
      %add3A_242 = arith.constant 1 : i32
      %add3A_243 = arith.addi %add3A_196, %add3A_242 : i32
      %add3A_244 = arith.constant 1 : i32
      %add3A_245 = arith.addi %add3A_243, %add3A_244 : i32
      %dma_wait3A_246 = arith.constant 0 : i32
      %dma_wait3A_247 = arith.constant 0 : i32
      %dma_wait3A_248 = tpu.memref_slice %arg2[%dma_wait3A_246, %add3A, %add3A_245, %dma_wait3A_247] : memref<2x32x125x80xi32, #tpu.memory_space<hbm>> -> memref<1x1x1x80xi32, #tpu.memory_space<hbm>>
      %dma_wait3A_249 = tpu.memref_squeeze %dma_wait3A_248 : memref<1x1x1x80xi32, #tpu.memory_space<hbm>> -> memref<1x80xi32, #tpu.memory_space<hbm>>
      %dma_wait3A_250 = arith.constant 0 : i32
      %dma_wait3A_251 = tpu.memref_slice %arg2[%dma_wait3A_246, %add3A, %add3A_245, %dma_wait3A_250] : memref<2x32x125x80xi32, #tpu.memory_space<hbm>> -> memref<1x1x1x80xi32, #tpu.memory_space<hbm>>
      %dma_wait3A_252 = tpu.memref_squeeze %dma_wait3A_251 : memref<1x1x1x80xi32, #tpu.memory_space<hbm>> -> memref<1x80xi32, #tpu.memory_space<hbm>>
      tpu.wait_dma2 semaphore(%arg12 : memref<!tpu.dma_semaphore, #tpu.memory_space<semaphore_mem>>) src(%dma_wait3A_252 : memref<1x80xi32, #tpu.memory_space<hbm>>) dst(%arg7 : memref<1x80xi32, #tpu.memory_space<vmem>>)
      %sub3A_253 = arith.constant 1 : i32
      %sub3A_254 = arith.subi %add3A_243, %sub3A_253 : i32
      %dma_wait3A_255 = arith.constant 0 : i32
      %dma_wait3A_256 = tpu.memref_slice %arg5[%sub3A_254, %dma_wait3A_255] : memref<125x80xi32, #tpu.memory_space<vmem>> -> memref<1x80xi32, #tpu.memory_space<vmem>>
      %dma_wait3A_257 = tpu.memref_squeeze %dma_wait3A_256 : memref<1x80xi32, #tpu.memory_space<vmem>> -> memref<80xi32, #tpu.memory_space<vmem>>
      %dma_wait3A_258 = arith.constant 0 : i32
      %dma_wait3A_259 = arith.constant 0 : i32
      %dma_wait3A_260 = tpu.memref_slice %arg10[%dma_wait3A_258, %dma_wait3A_259] : memref<10000x128xf32, #tpu.memory_space<vmem_shared>> -> memref<10000x128xf32, #tpu.memory_space<vmem_shared>>
      tpu.wait_indirect_dma semaphore(%arg16 : memref<!tpu.dma_semaphore, #tpu.memory_space<semaphore_mem>>) src(%arg9 : memref<80x128xf32, #tpu.memory_space<vmem>>) dst(%dma_wait3A_260 : memref<10000x128xf32, #tpu.memory_space<vmem_shared>>)
      %dma_start3A_261 = arith.constant 0 : i32
      %dma_start3A_262 = arith.constant 0 : i32
      %dma_start3A_263 = tpu.memref_slice %arg7[%dma_start3A_261, %dma_start3A_262] : memref<1x80xi32, #tpu.memory_space<vmem>> -> memref<1x80xi32, #tpu.memory_space<vmem>>
      %dma_start3A_264 = tpu.memref_squeeze %dma_start3A_263 : memref<1x80xi32, #tpu.memory_space<vmem>> -> memref<80xi32, #tpu.memory_space<vmem>>
      %dma_start3A_265 = arith.constant 0 : i32
      %dma_start3A_266 = arith.constant 0 : i32
      %dma_start3A_267 = tpu.memref_slice %arg3[%dma_start3A_265, %dma_start3A_266] : memref<10000x128xf32, #tpu.memory_space<hbm>> -> memref<10000x128xf32, #tpu.memory_space<hbm>>
      tpu.enqueue_indirect_dma source(%dma_start3A_267 : memref<10000x128xf32, #tpu.memory_space<hbm>>) target(%arg9 : memref<80x128xf32, #tpu.memory_space<vmem>>) offsets(%dma_start3A_264 : memref<80xi32, #tpu.memory_space<vmem>>) semaphore(%arg14 : memref<!tpu.dma_semaphore, #tpu.memory_space<semaphore_mem>>)
      %dma_wait3A_268 = arith.constant 0 : i32
      %dma_wait3A_269 = arith.constant 0 : i32
      %dma_wait3A_270 = tpu.memref_slice %arg6[%dma_wait3A_268, %dma_wait3A_269] : memref<1x80xi32, #tpu.memory_space<vmem>> -> memref<1x80xi32, #tpu.memory_space<vmem>>
      %dma_wait3A_271 = tpu.memref_squeeze %dma_wait3A_270 : memref<1x80xi32, #tpu.memory_space<vmem>> -> memref<80xi32, #tpu.memory_space<vmem>>
      %dma_wait3A_272 = arith.constant 0 : i32
      %dma_wait3A_273 = arith.constant 0 : i32
      %dma_wait3A_274 = tpu.memref_slice %arg3[%dma_wait3A_272, %dma_wait3A_273] : memref<10000x128xf32, #tpu.memory_space<hbm>> -> memref<10000x128xf32, #tpu.memory_space<hbm>>
      tpu.wait_indirect_dma semaphore(%arg13 : memref<!tpu.dma_semaphore, #tpu.memory_space<semaphore_mem>>) src(%dma_wait3A_274 : memref<10000x128xf32, #tpu.memory_space<hbm>>) dst(%arg8 : memref<80x128xf32, #tpu.memory_space<vmem>>)
      %add3A_275 = arith.constant 2 : i32
      %add3A_276 = arith.addi %add3A_243, %add3A_275 : i32
      %dma_start3A_277 = arith.constant 0 : i32
      %dma_start3A_278 = arith.constant 0 : i32
      %dma_start3A_279 = tpu.memref_slice %arg2[%dma_start3A_277, %add3A, %add3A_276, %dma_start3A_278] : memref<2x32x125x80xi32, #tpu.memory_space<hbm>> -> memref<1x1x1x80xi32, #tpu.memory_space<hbm>>
      %dma_start3A_280 = tpu.memref_squeeze %dma_start3A_279 : memref<1x1x1x80xi32, #tpu.memory_space<hbm>> -> memref<1x80xi32, #tpu.memory_space<hbm>>
      %dma_start3A_281 = arith.constant 0 : i32
      %dma_start3A_282 = tpu.memref_slice %arg2[%dma_start3A_277, %add3A, %add3A_276, %dma_start3A_281] : memref<2x32x125x80xi32, #tpu.memory_space<hbm>> -> memref<1x1x1x80xi32, #tpu.memory_space<hbm>>
      %dma_start3A_283 = tpu.memref_squeeze %dma_start3A_282 : memref<1x1x1x80xi32, #tpu.memory_space<hbm>> -> memref<1x80xi32, #tpu.memory_space<hbm>>
      tpu.enqueue_dma source(%dma_start3A_283 : memref<1x80xi32, #tpu.memory_space<hbm>>) target(%arg6 : memref<1x80xi32, #tpu.memory_space<vmem>>) target_semaphore(%arg11 : memref<!tpu.dma_semaphore, #tpu.memory_space<semaphore_mem>>)
      %dma_start3A_284 = arith.constant 0 : i32
      %dma_start3A_285 = tpu.memref_slice %arg5[%add3A_243, %dma_start3A_284] : memref<125x80xi32, #tpu.memory_space<vmem>> -> memref<1x80xi32, #tpu.memory_space<vmem>>
      %dma_start3A_286 = tpu.memref_squeeze %dma_start3A_285 : memref<1x80xi32, #tpu.memory_space<vmem>> -> memref<80xi32, #tpu.memory_space<vmem>>
      %dma_start3A_287 = arith.constant 0 : i32
      %dma_start3A_288 = arith.constant 0 : i32
      %dma_start3A_289 = tpu.memref_slice %arg10[%dma_start3A_287, %dma_start3A_288] : memref<10000x128xf32, #tpu.memory_space<vmem_shared>> -> memref<10000x128xf32, #tpu.memory_space<vmem_shared>>
      tpu.enqueue_indirect_dma source(%arg8 : memref<80x128xf32, #tpu.memory_space<vmem>>) target(%dma_start3A_289 : memref<10000x128xf32, #tpu.memory_space<vmem_shared>>) offsets(%dma_start3A_286 : memref<80xi32, #tpu.memory_space<vmem>>) semaphore(%arg15 : memref<!tpu.dma_semaphore, #tpu.memory_space<semaphore_mem>>) {add = true}
    }
    %scan3A_116 = arith.constant 61 : i32
    %dma_wait3A_117 = arith.constant 0 : i32
    %dma_wait3A_118 = arith.constant 124 : i32
    %dma_wait3A_119 = arith.constant 0 : i32
    %dma_wait3A_120 = tpu.memref_slice %arg2[%dma_wait3A_117, %add3A, %dma_wait3A_118, %dma_wait3A_119] : memref<2x32x125x80xi32, #tpu.memory_space<hbm>> -> memref<1x1x1x80xi32, #tpu.memory_space<hbm>>
    %dma_wait3A_121 = tpu.memref_squeeze %dma_wait3A_120 : memref<1x1x1x80xi32, #tpu.memory_space<hbm>> -> memref<1x80xi32, #tpu.memory_space<hbm>>
    %dma_wait3A_122 = arith.constant 124 : i32
    %dma_wait3A_123 = arith.constant 0 : i32
    %dma_wait3A_124 = tpu.memref_slice %arg2[%dma_wait3A_117, %add3A, %dma_wait3A_122, %dma_wait3A_123] : memref<2x32x125x80xi32, #tpu.memory_space<hbm>> -> memref<1x1x1x80xi32, #tpu.memory_space<hbm>>
    %dma_wait3A_125 = tpu.memref_squeeze %dma_wait3A_124 : memref<1x1x1x80xi32, #tpu.memory_space<hbm>> -> memref<1x80xi32, #tpu.memory_space<hbm>>
    tpu.wait_dma2 semaphore(%arg11 : memref<!tpu.dma_semaphore, #tpu.memory_space<semaphore_mem>>) src(%dma_wait3A_125 : memref<1x80xi32, #tpu.memory_space<hbm>>) dst(%arg6 : memref<1x80xi32, #tpu.memory_space<vmem>>)
    %dma_wait3A_126 = arith.constant 122 : i32
    %dma_wait3A_127 = arith.constant 0 : i32
    %dma_wait3A_128 = tpu.memref_slice %arg5[%dma_wait3A_126, %dma_wait3A_127] : memref<125x80xi32, #tpu.memory_space<vmem>> -> memref<1x80xi32, #tpu.memory_space<vmem>>
    %dma_wait3A_129 = tpu.memref_squeeze %dma_wait3A_128 : memref<1x80xi32, #tpu.memory_space<vmem>> -> memref<80xi32, #tpu.memory_space<vmem>>
    %dma_wait3A_130 = arith.constant 0 : i32
    %dma_wait3A_131 = arith.constant 0 : i32
    %dma_wait3A_132 = tpu.memref_slice %arg10[%dma_wait3A_130, %dma_wait3A_131] : memref<10000x128xf32, #tpu.memory_space<vmem_shared>> -> memref<10000x128xf32, #tpu.memory_space<vmem_shared>>
    tpu.wait_indirect_dma semaphore(%arg15 : memref<!tpu.dma_semaphore, #tpu.memory_space<semaphore_mem>>) src(%arg8 : memref<80x128xf32, #tpu.memory_space<vmem>>) dst(%dma_wait3A_132 : memref<10000x128xf32, #tpu.memory_space<vmem_shared>>)
    %dma_start3A_133 = arith.constant 0 : i32
    %dma_start3A_134 = arith.constant 0 : i32
    %dma_start3A_135 = tpu.memref_slice %arg6[%dma_start3A_133, %dma_start3A_134] : memref<1x80xi32, #tpu.memory_space<vmem>> -> memref<1x80xi32, #tpu.memory_space<vmem>>
    %dma_start3A_136 = tpu.memref_squeeze %dma_start3A_135 : memref<1x80xi32, #tpu.memory_space<vmem>> -> memref<80xi32, #tpu.memory_space<vmem>>
    %dma_start3A_137 = arith.constant 0 : i32
    %dma_start3A_138 = arith.constant 0 : i32
    %dma_start3A_139 = tpu.memref_slice %arg3[%dma_start3A_137, %dma_start3A_138] : memref<10000x128xf32, #tpu.memory_space<hbm>> -> memref<10000x128xf32, #tpu.memory_space<hbm>>
    tpu.enqueue_indirect_dma source(%dma_start3A_139 : memref<10000x128xf32, #tpu.memory_space<hbm>>) target(%arg8 : memref<80x128xf32, #tpu.memory_space<vmem>>) offsets(%dma_start3A_136 : memref<80xi32, #tpu.memory_space<vmem>>) semaphore(%arg13 : memref<!tpu.dma_semaphore, #tpu.memory_space<semaphore_mem>>)
    %dma_wait3A_140 = arith.constant 0 : i32
    %dma_wait3A_141 = arith.constant 0 : i32
    %dma_wait3A_142 = tpu.memref_slice %arg7[%dma_wait3A_140, %dma_wait3A_141] : memref<1x80xi32, #tpu.memory_space<vmem>> -> memref<1x80xi32, #tpu.memory_space<vmem>>
    %dma_wait3A_143 = tpu.memref_squeeze %dma_wait3A_142 : memref<1x80xi32, #tpu.memory_space<vmem>> -> memref<80xi32, #tpu.memory_space<vmem>>
    %dma_wait3A_144 = arith.constant 0 : i32
    %dma_wait3A_145 = arith.constant 0 : i32
    %dma_wait3A_146 = tpu.memref_slice %arg3[%dma_wait3A_144, %dma_wait3A_145] : memref<10000x128xf32, #tpu.memory_space<hbm>> -> memref<10000x128xf32, #tpu.memory_space<hbm>>
    tpu.wait_indirect_dma semaphore(%arg14 : memref<!tpu.dma_semaphore, #tpu.memory_space<semaphore_mem>>) src(%dma_wait3A_146 : memref<10000x128xf32, #tpu.memory_space<hbm>>) dst(%arg9 : memref<80x128xf32, #tpu.memory_space<vmem>>)
    %dma_start3A_147 = arith.constant 123 : i32
    %dma_start3A_148 = arith.constant 0 : i32
    %dma_start3A_149 = tpu.memref_slice %arg5[%dma_start3A_147, %dma_start3A_148] : memref<125x80xi32, #tpu.memory_space<vmem>> -> memref<1x80xi32, #tpu.memory_space<vmem>>
    %dma_start3A_150 = tpu.memref_squeeze %dma_start3A_149 : memref<1x80xi32, #tpu.memory_space<vmem>> -> memref<80xi32, #tpu.memory_space<vmem>>
    %dma_start3A_151 = arith.constant 0 : i32
    %dma_start3A_152 = arith.constant 0 : i32
    %dma_start3A_153 = tpu.memref_slice %arg10[%dma_start3A_151, %dma_start3A_152] : memref<10000x128xf32, #tpu.memory_space<vmem_shared>> -> memref<10000x128xf32, #tpu.memory_space<vmem_shared>>
    tpu.enqueue_indirect_dma source(%arg9 : memref<80x128xf32, #tpu.memory_space<vmem>>) target(%dma_start3A_153 : memref<10000x128xf32, #tpu.memory_space<vmem_shared>>) offsets(%dma_start3A_150 : memref<80xi32, #tpu.memory_space<vmem>>) semaphore(%arg16 : memref<!tpu.dma_semaphore, #tpu.memory_space<semaphore_mem>>) {add = true}
    %dma_wait3A_154 = arith.constant 0 : i32
    %dma_wait3A_155 = arith.constant 0 : i32
    %dma_wait3A_156 = tpu.memref_slice %arg6[%dma_wait3A_154, %dma_wait3A_155] : memref<1x80xi32, #tpu.memory_space<vmem>> -> memref<1x80xi32, #tpu.memory_space<vmem>>
    %dma_wait3A_157 = tpu.memref_squeeze %dma_wait3A_156 : memref<1x80xi32, #tpu.memory_space<vmem>> -> memref<80xi32, #tpu.memory_space<vmem>>
    %dma_wait3A_158 = arith.constant 0 : i32
    %dma_wait3A_159 = arith.constant 0 : i32
    %dma_wait3A_160 = tpu.memref_slice %arg3[%dma_wait3A_158, %dma_wait3A_159] : memref<10000x128xf32, #tpu.memory_space<hbm>> -> memref<10000x128xf32, #tpu.memory_space<hbm>>
    tpu.wait_indirect_dma semaphore(%arg13 : memref<!tpu.dma_semaphore, #tpu.memory_space<semaphore_mem>>) src(%dma_wait3A_160 : memref<10000x128xf32, #tpu.memory_space<hbm>>) dst(%arg8 : memref<80x128xf32, #tpu.memory_space<vmem>>)
    %dma_start3A_161 = arith.constant 124 : i32
    %dma_start3A_162 = arith.constant 0 : i32
    %dma_start3A_163 = tpu.memref_slice %arg5[%dma_start3A_161, %dma_start3A_162] : memref<125x80xi32, #tpu.memory_space<vmem>> -> memref<1x80xi32, #tpu.memory_space<vmem>>
    %dma_start3A_164 = tpu.memref_squeeze %dma_start3A_163 : memref<1x80xi32, #tpu.memory_space<vmem>> -> memref<80xi32, #tpu.memory_space<vmem>>
    %dma_start3A_165 = arith.constant 0 : i32
    %dma_start3A_166 = arith.constant 0 : i32
    %dma_start3A_167 = tpu.memref_slice %arg10[%dma_start3A_165, %dma_start3A_166] : memref<10000x128xf32, #tpu.memory_space<vmem_shared>> -> memref<10000x128xf32, #tpu.memory_space<vmem_shared>>
    tpu.enqueue_indirect_dma source(%arg8 : memref<80x128xf32, #tpu.memory_space<vmem>>) target(%dma_start3A_167 : memref<10000x128xf32, #tpu.memory_space<vmem_shared>>) offsets(%dma_start3A_164 : memref<80xi32, #tpu.memory_space<vmem>>) semaphore(%arg15 : memref<!tpu.dma_semaphore, #tpu.memory_space<semaphore_mem>>) {add = true}
    %dma_wait3A_168 = arith.constant 123 : i32
    %dma_wait3A_169 = arith.constant 0 : i32
    %dma_wait3A_170 = tpu.memref_slice %arg5[%dma_wait3A_168, %dma_wait3A_169] : memref<125x80xi32, #tpu.memory_space<vmem>> -> memref<1x80xi32, #tpu.memory_space<vmem>>
    %dma_wait3A_171 = tpu.memref_squeeze %dma_wait3A_170 : memref<1x80xi32, #tpu.memory_space<vmem>> -> memref<80xi32, #tpu.memory_space<vmem>>
    %dma_wait3A_172 = arith.constant 0 : i32
    %dma_wait3A_173 = arith.constant 0 : i32
    %dma_wait3A_174 = tpu.memref_slice %arg10[%dma_wait3A_172, %dma_wait3A_173] : memref<10000x128xf32, #tpu.memory_space<vmem_shared>> -> memref<10000x128xf32, #tpu.memory_space<vmem_shared>>
    tpu.wait_indirect_dma semaphore(%arg16 : memref<!tpu.dma_semaphore, #tpu.memory_space<semaphore_mem>>) src(%arg9 : memref<80x128xf32, #tpu.memory_space<vmem>>) dst(%dma_wait3A_174 : memref<10000x128xf32, #tpu.memory_space<vmem_shared>>)
    %dma_wait3A_175 = arith.constant 124 : i32
    %dma_wait3A_176 = arith.constant 0 : i32
    %dma_wait3A_177 = tpu.memref_slice %arg5[%dma_wait3A_175, %dma_wait3A_176] : memref<125x80xi32, #tpu.memory_space<vmem>> -> memref<1x80xi32, #tpu.memory_space<vmem>>
    %dma_wait3A_178 = tpu.memref_squeeze %dma_wait3A_177 : memref<1x80xi32, #tpu.memory_space<vmem>> -> memref<80xi32, #tpu.memory_space<vmem>>
    %dma_wait3A_179 = arith.constant 0 : i32
    %dma_wait3A_180 = arith.constant 0 : i32
    %dma_wait3A_181 = tpu.memref_slice %arg10[%dma_wait3A_179, %dma_wait3A_180] : memref<10000x128xf32, #tpu.memory_space<vmem_shared>> -> memref<10000x128xf32, #tpu.memory_space<vmem_shared>>
    tpu.wait_indirect_dma semaphore(%arg15 : memref<!tpu.dma_semaphore, #tpu.memory_space<semaphore_mem>>) src(%arg8 : memref<80x128xf32, #tpu.memory_space<vmem>>) dst(%dma_wait3A_181 : memref<10000x128xf32, #tpu.memory_space<vmem_shared>>)
    %barrier3A_182 = arith.constant 0 : index
    tpu.barrier barrier_id(%barrier3A_182)
    %mul3A_183 = arith.constant 624 : i32
    %mul3A_184 = arith.muli %arg1, %mul3A_183 : i32
    %mul3A_185 = arith.constant 624 : i32
    %mul3A_186 = arith.muli %arg1, %mul3A_185 : i32
    "tpu.region"() ({
      %run_scoped3A_192 = tpu.sem_alloc : memref<!tpu.dma_semaphore, #tpu.memory_space<semaphore_mem>>
      %dma_start3A_193 = arith.constant 0 : i32
      %dma_start3A_194 = tpu.memref_slice %arg4[%arg0, %mul3A_186, %dma_start3A_193] : memref<2x10000x128xf32, #tpu.memory_space<hbm>> -> memref<1x624x128xf32, #tpu.memory_space<hbm>>
      %dma_start3A_195 = tpu.memref_squeeze %dma_start3A_194 : memref<1x624x128xf32, #tpu.memory_space<hbm>> -> memref<624x128xf32, #tpu.memory_space<hbm>>
      %dma_start3A_196 = arith.constant 0 : i32
      %dma_start3A_197 = tpu.memref_slice %arg10[%mul3A_184, %dma_start3A_196] : memref<10000x128xf32, #tpu.memory_space<vmem_shared>> -> memref<624x128xf32, #tpu.memory_space<vmem_shared>>
      tpu.enqueue_dma source(%dma_start3A_197 : memref<624x128xf32, #tpu.memory_space<vmem_shared>>) target(%dma_start3A_195 : memref<624x128xf32, #tpu.memory_space<hbm>>) target_semaphore(%run_scoped3A_192 : memref<!tpu.dma_semaphore, #tpu.memory_space<semaphore_mem>>)
      %dma_wait3A_198 = arith.constant 0 : i32
      %dma_wait3A_199 = tpu.memref_slice %arg4[%arg0, %mul3A_186, %dma_wait3A_198] : memref<2x10000x128xf32, #tpu.memory_space<hbm>> -> memref<1x624x128xf32, #tpu.memory_space<hbm>>
      %dma_wait3A_200 = tpu.memref_squeeze %dma_wait3A_199 : memref<1x624x128xf32, #tpu.memory_space<hbm>> -> memref<624x128xf32, #tpu.memory_space<hbm>>
      %dma_wait3A_201 = arith.constant 0 : i32
      %dma_wait3A_202 = tpu.memref_slice %arg10[%mul3A_184, %dma_wait3A_201] : memref<10000x128xf32, #tpu.memory_space<vmem_shared>> -> memref<624x128xf32, #tpu.memory_space<vmem_shared>>
      tpu.wait_dma2 semaphore(%run_scoped3A_192 : memref<!tpu.dma_semaphore, #tpu.memory_space<semaphore_mem>>) src(%dma_wait3A_202 : memref<624x128xf32, #tpu.memory_space<vmem_shared>>) dst(%dma_wait3A_200 : memref<624x128xf32, #tpu.memory_space<hbm>>)
      tpu.yield
    }) : () -> ()
    %eq3A_187 = arith.constant 15 : i32
    %eq3A_188 = arith.cmpi eq, %arg1, %eq3A_187 : i32
    %convert_element_type3A_189 = arith.extui %eq3A_188 : i1 to i32
    %cond3A_190 = arith.constant 0 : i32
    %cond3A_191 = arith.cmpi ne, %convert_element_type3A_189, %cond3A_190 : i32
    scf.if %cond3A_191 {
      "tpu.region"() ({
        %run_scoped3A_192 = tpu.sem_alloc : memref<!tpu.dma_semaphore, #tpu.memory_space<semaphore_mem>>
        %dma_start3A_193 = arith.constant 9984 : i32
        %dma_start3A_194 = arith.constant 0 : i32
        %dma_start3A_195 = tpu.memref_slice %arg4[%arg0, %dma_start3A_193, %dma_start3A_194] : memref<2x10000x128xf32, #tpu.memory_space<hbm>> -> memref<1x16x128xf32, #tpu.memory_space<hbm>>
        %dma_start3A_196 = tpu.memref_squeeze %dma_start3A_195 : memref<1x16x128xf32, #tpu.memory_space<hbm>> -> memref<16x128xf32, #tpu.memory_space<hbm>>
        %dma_start3A_197 = arith.constant 9984 : i32
        %dma_start3A_198 = arith.constant 0 : i32
        %dma_start3A_199 = tpu.memref_slice %arg10[%dma_start3A_197, %dma_start3A_198] : memref<10000x128xf32, #tpu.memory_space<vmem_shared>> -> memref<16x128xf32, #tpu.memory_space<vmem_shared>>
        tpu.enqueue_dma source(%dma_start3A_199 : memref<16x128xf32, #tpu.memory_space<vmem_shared>>) target(%dma_start3A_196 : memref<16x128xf32, #tpu.memory_space<hbm>>) target_semaphore(%run_scoped3A_192 : memref<!tpu.dma_semaphore, #tpu.memory_space<semaphore_mem>>)
        %dma_wait3A_200 = arith.constant 9984 : i32
        %dma_wait3A_201 = arith.constant 0 : i32
        %dma_wait3A_202 = tpu.memref_slice %arg4[%arg0, %dma_wait3A_200, %dma_wait3A_201] : memref<2x10000x128xf32, #tpu.memory_space<hbm>> -> memref<1x16x128xf32, #tpu.memory_space<hbm>>
        %dma_wait3A_203 = tpu.memref_squeeze %dma_wait3A_202 : memref<1x16x128xf32, #tpu.memory_space<hbm>> -> memref<16x128xf32, #tpu.memory_space<hbm>>
        %dma_wait3A_204 = arith.constant 9984 : i32
        %dma_wait3A_205 = arith.constant 0 : i32
        %dma_wait3A_206 = tpu.memref_slice %arg10[%dma_wait3A_204, %dma_wait3A_205] : memref<10000x128xf32, #tpu.memory_space<vmem_shared>> -> memref<16x128xf32, #tpu.memory_space<vmem_shared>>
        tpu.wait_dma2 semaphore(%run_scoped3A_192 : memref<!tpu.dma_semaphore, #tpu.memory_space<semaphore_mem>>) src(%dma_wait3A_206 : memref<16x128xf32, #tpu.memory_space<vmem_shared>>) dst(%dma_wait3A_203 : memref<16x128xf32, #tpu.memory_space<hbm>>)
        tpu.yield
      }) : () -> ()
    } else {
    }
    return
  }
}

module attributes {stable_mosaic.version = 14 : i64} {
  func.func @_tc_xw_body(%arg0: i32, %arg1: memref<1000x128xf32, #tpu.memory_space<vmem>>, %arg2: memref<128x128xf32, #tpu.memory_space<vmem>>, %arg3: memref<1000x128xf32, #tpu.memory_space<vmem>>) attributes {dimension_semantics = [#tpu.dimension_semantics<parallel>], iteration_bounds = array<i64: 10>, scalar_prefetch = 0 : i64, scratch_operands = 0 : i64, tpu.core_type = #tpu.core_type<tc>, window_params = [{transform_indices = @transform_0, window_bounds = array<i64: 1000, 128>}, {pipeline_mode = #tpu.pipeline_mode<synchronous>, transform_indices = @transform_1, window_bounds = array<i64: 128, 128>}, {transform_indices = @transform_2, window_bounds = array<i64: 1000, 128>}]} {
    %get3A = arith.constant 0 : index
    %get3A_0 = arith.constant 0 : index
    %get3A_1 = vector.load %arg1[%get3A, %get3A_0] : memref<1000x128xf32, #tpu.memory_space<vmem>>, vector<1000x128xf32>
    %get3A_2 = arith.constant 0 : index
    %get3A_3 = arith.constant 0 : index
    %get3A_4 = vector.load %arg2[%get3A_2, %get3A_3] : memref<128x128xf32, #tpu.memory_space<vmem>>, vector<128x128xf32>
    %dot_general3A = arith.constant dense<0.000000e+00> : vector<1000x128xf32>
    %dot_general3A_5 = tpu.matmul %get3A_1, %get3A_4, %dot_general3A {dimension_numbers = #tpu.dot_dimension_numbers<[1], [0], [0], [1], [0, 0, 1, 1], [], []>, transpose_lhs_hint = false} : vector<1000x128xf32>, vector<128x128xf32>, vector<1000x128xf32> -> vector<1000x128xf32>
    %swap3A = arith.constant 0 : index
    %swap3A_6 = arith.constant 0 : index
    %swap3A_7 = vector.load %arg3[%swap3A, %swap3A_6] : memref<1000x128xf32, #tpu.memory_space<vmem>>, vector<1000x128xf32>
    tpu.vector_store %arg3[%swap3A, %swap3A_6], %dot_general3A_5 {strides = array<i32>} : memref<1000x128xf32, #tpu.memory_space<vmem>>, vector<1000x128xf32>,
    return
  }
  func.func @transform_0(%arg0: i32) -> (i32, i32) {
    %c0_i32 = arith.constant 0 : i32
    %c0_i32_0 = arith.constant 0 : i32
    return %arg0, %c0_i32 : i32, i32
  }
  func.func @transform_1(%arg0: i32) -> (i32, i32) {
    %c0_i32 = arith.constant 0 : i32
    %c0_i32_0 = arith.constant 0 : i32
    %c0_i32_1 = arith.constant 0 : i32
    return %c0_i32, %c0_i32_0 : i32, i32
  }
  func.func @transform_2(%arg0: i32) -> (i32, i32) {
    %c0_i32 = arith.constant 0 : i32
    %c0_i32_0 = arith.constant 0 : i32
    return %arg0, %c0_i32 : i32, i32
  }
}

module attributes {stable_mosaic.version = 14 : i64} {
  func.func @_tc_scale_body(%arg0: i32, %arg1: memref<1000x128xf32, #tpu.memory_space<vmem>>, %arg2: memref<2x1000x1xf32, #tpu.memory_space<vmem>>, %arg3: memref<1000x128xf32, #tpu.memory_space<vmem>>) attributes {dimension_semantics = [#tpu.dimension_semantics<parallel>], iteration_bounds = array<i64: 10>, scalar_prefetch = 0 : i64, scratch_operands = 0 : i64, tpu.core_type = #tpu.core_type<tc>, window_params = [{transform_indices = @transform_0, window_bounds = array<i64: 1000, 128>}, {transform_indices = @transform_1, window_bounds = array<i64: 2, 1000, 1>}, {transform_indices = @transform_2, window_bounds = array<i64: 1000, 128>}]} {
    %get3A = arith.constant 0 : index
    %get3A_0 = arith.constant 0 : index
    %get3A_1 = arith.constant 0 : index
    %get3A_2 = vector.load %arg2[%get3A, %get3A_0, %get3A_1] : memref<2x1000x1xf32, #tpu.memory_space<vmem>>, vector<1x1000x1xf32>
    %get3A_3 = vector.shape_cast %get3A_2 : vector<1x1000x1xf32> to vector<1000x1xf32>
    %get3A_4 = arith.constant 1 : index
    %get3A_5 = arith.constant 0 : index
    %get3A_6 = arith.constant 0 : index
    %get3A_7 = vector.load %arg2[%get3A_4, %get3A_5, %get3A_6] : memref<2x1000x1xf32, #tpu.memory_space<vmem>>, vector<1x1000x1xf32>
    %get3A_8 = vector.shape_cast %get3A_7 : vector<1x1000x1xf32> to vector<1000x1xf32>
    %add3A = arith.addf %get3A_3, %get3A_8 : vector<1000x1xf32>
    %add3A_9 = arith.constant 1.000000e+00 : f32
    %add3A_10 = vector.broadcast %add3A_9 : f32 to vector<1000x1xf32>
    %add3A_11 = arith.addf %add3A, %add3A_10 : vector<1000x1xf32>
    %get3A_12 = arith.constant 0 : index
    %get3A_13 = arith.constant 0 : index
    %get3A_14 = vector.load %arg1[%get3A_12, %get3A_13] : memref<1000x128xf32, #tpu.memory_space<vmem>>, vector<1000x128xf32>
    %rsqrt3A = math.rsqrt %add3A_11 : vector<1000x1xf32>
    %mul3A = vector.broadcast %rsqrt3A : vector<1000x1xf32> to vector<1000x128xf32>
    %mul3A_15 = arith.mulf %get3A_14, %mul3A : vector<1000x128xf32>
    %swap3A = arith.constant 0 : index
    %swap3A_16 = arith.constant 0 : index
    %swap3A_17 = vector.load %arg3[%swap3A, %swap3A_16] : memref<1000x128xf32, #tpu.memory_space<vmem>>, vector<1000x128xf32>
    tpu.vector_store %arg3[%swap3A, %swap3A_16], %mul3A_15 {strides = array<i32>} : memref<1000x128xf32, #tpu.memory_space<vmem>>, vector<1000x128xf32>,
    return
  }
  func.func @transform_0(%arg0: i32) -> (i32, i32) {
    %c0_i32 = arith.constant 0 : i32
    %c0_i32_0 = arith.constant 0 : i32
    return %arg0, %c0_i32 : i32, i32
  }
  func.func @transform_1(%arg0: i32) -> (i32, i32, i32) {
    %c0_i32 = arith.constant 0 : i32
    %c0_i32_0 = arith.constant 0 : i32
    %c0_i32_1 = arith.constant 0 : i32
    return %c0_i32, %arg0, %c0_i32_0 : i32, i32, i32
  }
  func.func @transform_2(%arg0: i32) -> (i32, i32) {
    %c0_i32 = arith.constant 0 : i32
    %c0_i32_0 = arith.constant 0 : i32
    return %arg0, %c0_i32 : i32, i32
  }
}

module attributes {stable_mosaic.version = 14 : i64} {
  func.func @_tc_post_body(%arg0: i32, %arg1: memref<2x1000x128xf32, #tpu.memory_space<vmem>>, %arg2: memref<1000x128xf32, #tpu.memory_space<vmem>>, %arg3: memref<1000x128xf32, #tpu.memory_space<vmem>>, %arg4: memref<2x1000x1xf32, #tpu.memory_space<vmem>>, %arg5: memref<1x1x1000xf32, #tpu.memory_space<vmem>>, %arg6: memref<1x128xf32, #tpu.memory_space<vmem>>, %arg7: memref<128x256xf32, #tpu.memory_space<vmem>>, %arg8: memref<1x256xf32, #tpu.memory_space<vmem>>, %arg9: memref<256x256xf32, #tpu.memory_space<vmem>>, %arg10: memref<1x256xf32, #tpu.memory_space<vmem>>, %arg11: memref<256x1xf32, #tpu.memory_space<vmem>>, %arg12: memref<1x1xf32, #tpu.memory_space<vmem>>, %arg13: memref<1x125x1xf32, #tpu.memory_space<vmem>>) attributes {dimension_semantics = [#tpu.dimension_semantics<parallel>], iteration_bounds = array<i64: 10>, scalar_prefetch = 0 : i64, scratch_operands = 0 : i64, tpu.core_type = #tpu.core_type<tc>, window_params = [{transform_indices = @transform_0, window_bounds = array<i64: 2, 1000, 128>}, {transform_indices = @transform_1, window_bounds = array<i64: 1000, 128>}, {transform_indices = @transform_2, window_bounds = array<i64: 1000, 128>}, {transform_indices = @transform_3, window_bounds = array<i64: 2, 1000, 1>}, {transform_indices = @transform_4, window_bounds = array<i64: 1, 1, 1000>}, {pipeline_mode = #tpu.pipeline_mode<synchronous>, transform_indices = @transform_5, window_bounds = array<i64: 1, 128>}, {pipeline_mode = #tpu.pipeline_mode<synchronous>, transform_indices = @transform_6, window_bounds = array<i64: 128, 256>}, {pipeline_mode = #tpu.pipeline_mode<synchronous>, transform_indices = @transform_7, window_bounds = array<i64: 1, 256>}, {pipeline_mode = #tpu.pipeline_mode<synchronous>, transform_indices = @transform_8, window_bounds = array<i64: 256, 256>}, {pipeline_mode = #tpu.pipeline_mode<synchronous>, transform_indices = @transform_9, window_bounds = array<i64: 1, 256>}, {pipeline_mode = #tpu.pipeline_mode<synchronous>, transform_indices = @transform_10, window_bounds = array<i64: 256, 1>}, {pipeline_mode = #tpu.pipeline_mode<synchronous>, transform_indices = @transform_11, window_bounds = array<i64: 1, 1>}, {transform_indices = @transform_12, window_bounds = array<i64: 1, 125, 1>}]} {
    %get3A = arith.constant 0 : index
    %get3A_0 = arith.constant 0 : index
    %get3A_1 = arith.constant 0 : index
    %get3A_2 = vector.load %arg4[%get3A, %get3A_0, %get3A_1] : memref<2x1000x1xf32, #tpu.memory_space<vmem>>, vector<1x1000x1xf32>
    %get3A_3 = vector.shape_cast %get3A_2 : vector<1x1000x1xf32> to vector<1000x1xf32>
    %get3A_4 = arith.constant 1 : index
    %get3A_5 = arith.constant 0 : index
    %get3A_6 = arith.constant 0 : index
    %get3A_7 = vector.load %arg4[%get3A_4, %get3A_5, %get3A_6] : memref<2x1000x1xf32, #tpu.memory_space<vmem>>, vector<1x1000x1xf32>
    %get3A_8 = vector.shape_cast %get3A_7 : vector<1x1000x1xf32> to vector<1000x1xf32>
    %add3A = arith.addf %get3A_3, %get3A_8 : vector<1000x1xf32>
    %add3A_9 = arith.constant 1.000000e+00 : f32
    %add3A_10 = vector.broadcast %add3A_9 : f32 to vector<1000x1xf32>
    %add3A_11 = arith.addf %add3A, %add3A_10 : vector<1000x1xf32>
    %rsqrt3A = math.rsqrt %add3A_11 : vector<1000x1xf32>
    %get3A_12 = arith.constant 0 : index
    %get3A_13 = arith.constant 0 : index
    %get3A_14 = arith.constant 0 : index
    %get3A_15 = vector.load %arg1[%get3A_12, %get3A_13, %get3A_14] : memref<2x1000x128xf32, #tpu.memory_space<vmem>>, vector<1x1000x128xf32>
    %get3A_16 = vector.shape_cast %get3A_15 : vector<1x1000x128xf32> to vector<1000x128xf32>
    %get3A_17 = arith.constant 1 : index
    %get3A_18 = arith.constant 0 : index
    %get3A_19 = arith.constant 0 : index
    %get3A_20 = vector.load %arg1[%get3A_17, %get3A_18, %get3A_19] : memref<2x1000x128xf32, #tpu.memory_space<vmem>>, vector<1x1000x128xf32>
    %get3A_21 = vector.shape_cast %get3A_20 : vector<1x1000x128xf32> to vector<1000x128xf32>
    %add3A_22 = arith.addf %get3A_16, %get3A_21 : vector<1000x128xf32>
    %get3A_23 = arith.constant 0 : index
    %get3A_24 = arith.constant 0 : index
    %get3A_25 = vector.load %arg2[%get3A_23, %get3A_24] : memref<1000x128xf32, #tpu.memory_space<vmem>>, vector<1000x128xf32>
    %add3A_26 = arith.addf %add3A_22, %get3A_25 : vector<1000x128xf32>
    %mul3A = vector.broadcast %rsqrt3A : vector<1000x1xf32> to vector<1000x128xf32>
    %mul3A_27 = arith.mulf %add3A_26, %mul3A : vector<1000x128xf32>
    %get3A_28 = arith.constant 0 : index
    %get3A_29 = arith.constant 0 : index
    %get3A_30 = vector.load %arg6[%get3A_28, %get3A_29] : memref<1x128xf32, #tpu.memory_space<vmem>>, vector<1x128xf32>
    %add3A_31 = vector.broadcast %get3A_30 : vector<1x128xf32> to vector<1000x128xf32>
    %add3A_32 = arith.addf %mul3A_27, %add3A_31 : vector<1000x128xf32>
    %max3A = arith.constant 0.000000e+00 : f32
    %max3A_33 = vector.broadcast %max3A : f32 to vector<1000x128xf32>
    %max3A_34 = arith.maximumf %add3A_32, %max3A_33 : vector<1000x128xf32>
    %get3A_35 = arith.constant 0 : index
    %get3A_36 = arith.constant 0 : index
    %get3A_37 = vector.load %arg3[%get3A_35, %get3A_36] : memref<1000x128xf32, #tpu.memory_space<vmem>>, vector<1000x128xf32>
    %add3A_38 = arith.addf %max3A_34, %get3A_37 : vector<1000x128xf32>
    %iota3A = tpu.iota {dimensions = array<i32: 0>} : vector<125x1000xi32>
    %iota3A_39 = tpu.iota {dimensions = array<i32: 1>} : vector<125x1000xi32>
    %shift_right_logical3A = arith.constant 3 : i32
    %shift_right_logical3A_40 = vector.broadcast %shift_right_logical3A : i32 to vector<125x1000xi32>
    %shift_right_logical3A_41 = arith.shrui %iota3A_39, %shift_right_logical3A_40 : vector<125x1000xi32>
    %eq3A = arith.cmpi eq, %shift_right_logical3A_41, %iota3A : vector<125x1000xi32>
    %jit3A = arith.constant 1.000000e+00 : f32
    %jit3A_42 = arith.constant 0.000000e+00 : f32
    %broadcast_in_dim3A = vector.broadcast %jit3A : f32 to vector<125x1000xf32>
    %broadcast_in_dim3A_43 = vector.broadcast %jit3A_42 : f32 to vector<125x1000xf32>
    %select_n3A = arith.select %eq3A, %broadcast_in_dim3A, %broadcast_in_dim3A_43 : vector<125x1000xi1>, vector<125x1000xf32>
    %get3A_44 = arith.constant 0 : index
    %get3A_45 = arith.constant 0 : index
    %get3A_46 = arith.constant 0 : index
    %get3A_47 = vector.load %arg5[%get3A_44, %get3A_45, %get3A_46] : memref<1x1x1000xf32, #tpu.memory_space<vmem>>, vector<1x1x1000xf32>
    %get3A_48 = vector.shape_cast %get3A_47 : vector<1x1x1000xf32> to vector<1x1000xf32>
    %mul3A_49 = arith.constant 1.000000e+01 : f32
    %mul3A_50 = vector.broadcast %mul3A_49 : f32 to vector<1x1000xf32>
    %mul3A_51 = arith.mulf %get3A_48, %mul3A_50 : vector<1x1000xf32>
    %mul3A_52 = vector.broadcast %mul3A_51 : vector<1x1000xf32> to vector<125x1000xf32>
    %mul3A_53 = arith.mulf %select_n3A, %mul3A_52 : vector<125x1000xf32>
    %dot_general3A = arith.constant dense<0.000000e+00> : vector<125x128xf32>
    %dot_general3A_54 = tpu.matmul %mul3A_53, %add3A_38, %dot_general3A {dimension_numbers = #tpu.dot_dimension_numbers<[1], [0], [0], [1], [0, 0, 1, 1], [], []>, precision = #tpu.contract_precision<fp32>, transpose_lhs_hint = false} : vector<125x1000xf32>, vector<1000x128xf32>, vector<125x128xf32> -> vector<125x128xf32>
    %get3A_55 = arith.constant 0 : index
    %get3A_56 = arith.constant 0 : index
    %get3A_57 = vector.load %arg7[%get3A_55, %get3A_56] : memref<128x256xf32, #tpu.memory_space<vmem>>, vector<128x256xf32>
    %dot_general3A_58 = arith.constant dense<0.000000e+00> : vector<125x256xf32>
    %dot_general3A_59 = tpu.matmul %dot_general3A_54, %get3A_57, %dot_general3A_58 {dimension_numbers = #tpu.dot_dimension_numbers<[1], [0], [0], [1], [0, 0, 1, 1], [], []>, transpose_lhs_hint = false} : vector<125x128xf32>, vector<128x256xf32>, vector<125x256xf32> -> vector<125x256xf32>
    %get3A_60 = arith.constant 0 : index
    %get3A_61 = arith.constant 0 : index
    %get3A_62 = vector.load %arg8[%get3A_60, %get3A_61] : memref<1x256xf32, #tpu.memory_space<vmem>>, vector<1x256xf32>
    %add3A_63 = vector.broadcast %get3A_62 : vector<1x256xf32> to vector<125x256xf32>
    %add3A_64 = arith.addf %dot_general3A_59, %add3A_63 : vector<125x256xf32>
    %max3A_65 = arith.constant 0.000000e+00 : f32
    %max3A_66 = vector.broadcast %max3A_65 : f32 to vector<125x256xf32>
    %max3A_67 = arith.maximumf %add3A_64, %max3A_66 : vector<125x256xf32>
    %get3A_68 = arith.constant 0 : index
    %get3A_69 = arith.constant 0 : index
    %get3A_70 = vector.load %arg9[%get3A_68, %get3A_69] : memref<256x256xf32, #tpu.memory_space<vmem>>, vector<256x256xf32>
    %dot_general3A_71 = arith.constant dense<0.000000e+00> : vector<125x256xf32>
    %dot_general3A_72 = tpu.matmul %max3A_67, %get3A_70, %dot_general3A_71 {dimension_numbers = #tpu.dot_dimension_numbers<[1], [0], [0], [1], [0, 0, 1, 1], [], []>, transpose_lhs_hint = false} : vector<125x256xf32>, vector<256x256xf32>, vector<125x256xf32> -> vector<125x256xf32>
    %get3A_73 = arith.constant 0 : index
    %get3A_74 = arith.constant 0 : index
    %get3A_75 = vector.load %arg10[%get3A_73, %get3A_74] : memref<1x256xf32, #tpu.memory_space<vmem>>, vector<1x256xf32>
    %add3A_76 = vector.broadcast %get3A_75 : vector<1x256xf32> to vector<125x256xf32>
    %add3A_77 = arith.addf %dot_general3A_72, %add3A_76 : vector<125x256xf32>
    %max3A_78 = arith.constant 0.000000e+00 : f32
    %max3A_79 = vector.broadcast %max3A_78 : f32 to vector<125x256xf32>
    %max3A_80 = arith.maximumf %add3A_77, %max3A_79 : vector<125x256xf32>
    %get3A_81 = arith.constant 0 : index
    %get3A_82 = arith.constant 0 : index
    %get3A_83 = vector.load %arg11[%get3A_81, %get3A_82] : memref<256x1xf32, #tpu.memory_space<vmem>>, vector<256x1xf32>
    %dot_general3A_84 = arith.constant dense<0.000000e+00> : vector<125x1xf32>
    %dot_general3A_85 = tpu.matmul %max3A_80, %get3A_83, %dot_general3A_84 {dimension_numbers = #tpu.dot_dimension_numbers<[1], [0], [0], [1], [0, 0, 1, 1], [], []>, transpose_lhs_hint = false} : vector<125x256xf32>, vector<256x1xf32>, vector<125x1xf32> -> vector<125x1xf32>
    %get3A_86 = arith.constant 0 : index
    %get3A_87 = arith.constant 0 : index
    %get3A_88 = vector.load %arg12[%get3A_86, %get3A_87] : memref<1x1xf32, #tpu.memory_space<vmem>>, vector<1x1xf32>
    %add3A_89 = vector.broadcast %get3A_88 : vector<1x1xf32> to vector<125x1xf32>
    %add3A_90 = arith.addf %dot_general3A_85, %add3A_89 : vector<125x1xf32>
    %swap3A = arith.constant 0 : index
    %swap3A_91 = arith.constant 0 : index
    %swap3A_92 = arith.constant 0 : index
    %swap3A_93 = vector.load %arg13[%swap3A, %swap3A_91, %swap3A_92] : memref<1x125x1xf32, #tpu.memory_space<vmem>>, vector<1x125x1xf32>
    %swap3A_94 = vector.shape_cast %swap3A_93 : vector<1x125x1xf32> to vector<125x1xf32>
    %swap3A_95 = vector.shape_cast %add3A_90 : vector<125x1xf32> to vector<1x125x1xf32>
    tpu.vector_store %arg13[%swap3A, %swap3A_91, %swap3A_92], %swap3A_95 {strides = array<i32>} : memref<1x125x1xf32, #tpu.memory_space<vmem>>, vector<1x125x1xf32>,
    return
  }
  func.func @transform_0(%arg0: i32) -> (i32, i32, i32) {
    %c0_i32 = arith.constant 0 : i32
    %c0_i32_0 = arith.constant 0 : i32
    %c0_i32_1 = arith.constant 0 : i32
    return %c0_i32, %arg0, %c0_i32_0 : i32, i32, i32
  }
  func.func @transform_1(%arg0: i32) -> (i32, i32) {
    %c0_i32 = arith.constant 0 : i32
    %c0_i32_0 = arith.constant 0 : i32
    return %arg0, %c0_i32 : i32, i32
  }
  func.func @transform_2(%arg0: i32) -> (i32, i32) {
    %c0_i32 = arith.constant 0 : i32
    %c0_i32_0 = arith.constant 0 : i32
    return %arg0, %c0_i32 : i32, i32
  }
  func.func @transform_3(%arg0: i32) -> (i32, i32, i32) {
    %c0_i32 = arith.constant 0 : i32
    %c0_i32_0 = arith.constant 0 : i32
    %c0_i32_1 = arith.constant 0 : i32
    return %c0_i32, %arg0, %c0_i32_0 : i32, i32, i32
  }
  func.func @transform_4(%arg0: i32) -> (i32, i32, i32) {
    %c0_i32 = arith.constant 0 : i32
    %c0_i32_0 = arith.constant 0 : i32
    %c0_i32_1 = arith.constant 0 : i32
    return %arg0, %c0_i32, %c0_i32_0 : i32, i32, i32
  }
  func.func @transform_5(%arg0: i32) -> (i32, i32) {
    %c0_i32 = arith.constant 0 : i32
    %c0_i32_0 = arith.constant 0 : i32
    %c0_i32_1 = arith.constant 0 : i32
    return %c0_i32, %c0_i32_0 : i32, i32
  }
  func.func @transform_6(%arg0: i32) -> (i32, i32) {
    %c0_i32 = arith.constant 0 : i32
    %c0_i32_0 = arith.constant 0 : i32
    %c0_i32_1 = arith.constant 0 : i32
    return %c0_i32, %c0_i32_0 : i32, i32
  }
  func.func @transform_7(%arg0: i32) -> (i32, i32) {
    %c0_i32 = arith.constant 0 : i32
    %c0_i32_0 = arith.constant 0 : i32
    %c0_i32_1 = arith.constant 0 : i32
    return %c0_i32, %c0_i32_0 : i32, i32
  }
  func.func @transform_8(%arg0: i32) -> (i32, i32) {
    %c0_i32 = arith.constant 0 : i32
    %c0_i32_0 = arith.constant 0 : i32
    %c0_i32_1 = arith.constant 0 : i32
    return %c0_i32, %c0_i32_0 : i32, i32
  }
  func.func @transform_9(%arg0: i32) -> (i32, i32) {
    %c0_i32 = arith.constant 0 : i32
    %c0_i32_0 = arith.constant 0 : i32
    %c0_i32_1 = arith.constant 0 : i32
    return %c0_i32, %c0_i32_0 : i32, i32
  }
  func.func @transform_10(%arg0: i32) -> (i32, i32) {
    %c0_i32 = arith.constant 0 : i32
    %c0_i32_0 = arith.constant 0 : i32
    %c0_i32_1 = arith.constant 0 : i32
    return %c0_i32, %c0_i32_0 : i32, i32
  }
  func.func @transform_11(%arg0: i32) -> (i32, i32) {
    %c0_i32 = arith.constant 0 : i32
    %c0_i32_0 = arith.constant 0 : i32
    %c0_i32_1 = arith.constant 0 : i32
    return %c0_i32, %c0_i32_0 : i32, i32
  }
  func.func @transform_12(%arg0: i32) -> (i32, i32, i32) {
    %c0_i32 = arith.constant 0 : i32
    %c0_i32_0 = arith.constant 0 : i32
    %c0_i32_1 = arith.constant 0 : i32
    return %arg0, %c0_i32, %c0_i32_0 : i32, i32, i32
  }
}

</mosaic_0001>

<sc_bundles>
// kernel: kernel.10.cloned.1.call-start
scs
__scs_entry_jumppad:
0x0: {  	(pc) =	sbr.rel $0x88, $3  }
0x1: {  	(tag) =	ssettag $0x0;
	lr =	simm.s32 $0x1  }
0x2: {  	[smem:$0x3F96] =	sst lr;
	_ =	strace $0xD0000000  }
0x3: {  	_ = 	snop  }
0x4: {  	_ = 	snop  }
0x5: {  	_ = 	snop  }
0x6: {  	_ = 	snop  }
0x7: {  	_ = 	snop  }
__scs_overlays_trampoline_lowered:
0x8: {  	[smem:$0x3FA5] =	sst s0  }
0x9: {  	[smem:$0x3FA6] =	sst s1  }
0xa: {  	[smem:$0x3FA7] =	sst s2  }
0xb: {  	[smem:$0x3FA8] =	sst s3  }
0xc: {  	[smem:$0x3FA9] =	sst s4  }
0xd: {  	[smem:$0x3FAA] =	sst s5  }
0xe: {  	[smem:$0x3FAB] =	sst s6  }
0xf: {  	[smem:$0x3FAC] =	sst s7  }
0x10: {  	[smem:$0x3FAD] =	sst s8  }
0x11: {  	[smem:$0x3FAE] =	sst s9;
	s0 =	simm.s32 @!p0 $0x0  }
0x12: {  	s1 =	sld [smem:$0x3F94];
	s0 =	simm.s32 @p0 $0x1  }
0x13: {  	[smem:$0x3FAF] =	sst s0;
	s0 =	simm.s32 @!p1 $0x0  }
0x14: {  	s2 =	sld [smem:$0x3F93];
	s0 =	simm.s32 @p1 $0x1  }
0x15: {  	[smem:$0x3FB0] =	sst s0;
	s0 =	simm.s32 @!p2 $0x0  }
0x16: {  	s3 =	sld [smem:$0x3FDB];
	s0 =	simm.s32 @p2 $0x1  }
0x17: {  	s4 =	simm.s32 $0x1BF5;
	[smem:$0x3FB2] =	sst s0  }
0x18: {  	s0 =	sld [smem:$0x3F95];
	_ =	swait.ge [sflag:s4], $0x0  }
0x19: {  	s7 =	sld [smem:$0x3F96]  }
0x1a: {  	s8 =	sadd.s32 $0xFFFFE003, lr  }
0x1b: {  	s9 =	sadd.s32 $0xFFFFFEF7, lr;
	s5 =	simm.s32 $0xFFFFFFFF;
	p2 =	slt.u32 s8, $0xFFFFF086  }
0x1c: {  	p1 =	slt.u32 s9, $0xF7A;
	s5 =	simm.s32 @!p2 $0x0  }
0x1d: {  	s5 =	simm.s32 @p1 $0x1;
	p0 =	seq.s32 s7, s2  }
0x1e: {  	s7 =	smul.u32 @!p0 $0xF7A, s2;
	p2 =	seq.s32 @!p0 s5, $0x0  }
0x1f: {  	s9 =	smul.u32 $0xF7A, s1;
	s8 =	simm.s32 @!p0 $0x1BF5;
	p2 =	por !p2, p0  }
0x20: {  	[sflag:s8] =	ssyncset.s32 @!p0 $0xFFFFF086;
	s6 =	sadd.s32 @!p0 s3, s7;
	s7 =	simm.s32 @!p0 $0x108  }
0x21: {  	s3 =	sadd.s32 s3, s9;
	s6 =	sadd.s32 @!p0 $0x88, s6;
	s7 =	simm.s32 @p2 $0x1082  }
0x22: {  	[simem:s7], [sflag:s8] =	dma.local @!p0 [hbm:s6], $0xF7A  }
0x23: {  	s9 =	sor.u32 $0xD0000000, s2;
	s6 =	simm.s32 $0x108;
	_ =	swait.ge @!p0 [sflag:s8], $0x0  }
0x24: {  	s3 =	sadd.s32 $0x88, s3;
	s6 =	simm.s32 @!p1 $0x1082;
	[sflag:s4] =	ssyncset.s32 $0xFFFFF086  }
0x25: {  	[simem:s6], [sflag:s4] =	dma.local [hbm:s3], $0xF7A  }
0x26: {  	[smem:$0x3F96] =	sst s1;
	(tag) =	ssettag s2;
	_ =	strace s9  }
0x27: {  	s1 =	sld [smem:$0x3FA6]  }
0x28: {  	s2 =	sld [smem:$0x3FA7]  }
0x29: {  	s4 =	sld [smem:$0x3FA9]  }
0x2a: {  	p0 =	seq.s32 s5, $0x0;
	s5 =	sld [smem:$0x3FAA]  }
0x2b: {  	s6 =	sld [smem:$0x3FAB]  }
0x2c: {  	s7 =	sld [smem:$0x3FAC]  }
0x2d: {  	s3 =	simm.s32 $0x108;
	s8 =	sld [smem:$0x3FAD]  }
0x2e: {  	s3 =	simm.s32 @!p0 $0x1082;
	s9 =	sld [smem:$0x3FAE]  }
0x2f: {  	lr =	sadd.s32 s0, s3;
	s0 =	sld [smem:$0x3FA5]  }
0x30: {  	s3 =	sld [smem:$0x3FA8]  }
0x31: {  	[smem:$0x3FB1] =	sst s10  }
0x32: {  	s10 =	sld [smem:$0x3FAF];
	_ =	sdelay $0x3  }
0x33: {  	p0 =	seq.s32 s10, $0x1;
	s10 =	sld [smem:$0x3FB1];
	_ =	sdelay $0x3  }
0x34: {  	[smem:$0x3FB1] =	sst s10  }
0x35: {  	s10 =	sld [smem:$0x3FB0];
	_ =	sdelay $0x3  }
0x36: {  	p1 =	seq.s32 s10, $0x1;
	s10 =	sld [smem:$0x3FB1];
	_ =	sdelay $0x3  }
0x37: {  	[smem:$0x3FB1] =	sst s10  }
0x38: {  	s10 =	sld [smem:$0x3FB2]  }
0x39: {  	_ = 	snop;
	(pc) =	sbr.ind lr, $3  }
0x3a: {  	_ = 	snop  }
0x3b: {  	_ = 	snop  }
0x3c: {  	p2 =	seq.s32 s10, $0x1;
	s10 =	sld [smem:$0x3FB1]  }
0x3d: {  	_ =	shalt  }
0x3e: {  	_ =	shalt  }
0x3f: {  	_ =	shalt  }
0x40: {  	_ =	shalt  }
0x41: {  	_ =	shalt  }
0x42: {  	_ =	shalt  }
0x43: {  	_ =	shalt  }
0x44: {  	_ =	shalt  }
0x45: {  	_ =	shalt  }
0x46: {  	_ =	shalt  }
0x47: {  	_ =	shalt  }
0x48: {  	_ =	shalt  }
0x49: {  	_ =	shalt  }
0x4a: {  	_ =	shalt  }
0x4b: {  	_ =	shalt  }
0x4c: {  	_ =	shalt  }
0x4d: {  	_ =	shalt  }
0x4e: {  	_ =	shalt  }
0x4f: {  	_ =	shalt  }
0x50: {  	_ =	shalt  }
0x51: {  	_ =	shalt  }
0x52: {  	_ =	shalt  }
0x53: {  	_ =	shalt  }
0x54: {  	_ =	shalt  }
0x55: {  	_ =	shalt  }
0x56: {  	_ =	shalt  }
0x57: {  	_ =	shalt  }
0x58: {  	_ =	shalt  }
0x59: {  	_ =	shalt  }
0x5a: {  	_ =	shalt  }
0x5b: {  	_ =	shalt  }
0x5c: {  	_ =	shalt  }
0x5d: {  	_ =	shalt  }
0x5e: {  	_ =	shalt  }
0x5f: {  	_ =	shalt  }
0x60: {  	_ =	shalt  }
0x61: {  	_ =	shalt  }
0x62: {  	_ =	shalt  }
0x63: {  	_ =	shalt  }
0x64: {  	_ =	shalt  }
0x65: {  	_ =	shalt  }
0x66: {  	_ =	shalt  }
0x67: {  	_ =	shalt  }
0x68: {  	_ =	shalt  }
0x69: {  	_ =	shalt  }
0x6a: {  	_ =	shalt  }
0x6b: {  	_ =	shalt  }
0x6c: {  	_ =	shalt  }
0x6d: {  	_ =	shalt  }
0x6e: {  	_ =	shalt  }
0x6f: {  	_ =	shalt  }
0x70: {  	_ =	shalt  }
0x71: {  	_ =	shalt  }
0x72: {  	_ =	shalt  }
0x73: {  	_ =	shalt  }
0x74: {  	_ =	shalt  }
0x75: {  	_ =	shalt  }
0x76: {  	_ =	shalt  }
0x77: {  	_ =	shalt  }
0x78: {  	_ =	shalt  }
0x79: {  	_ =	shalt  }
0x7a: {  	_ =	shalt  }
0x7b: {  	_ =	shalt  }
0x7c: {  	_ =	shalt  }
0x7d: {  	_ =	shalt  }
0x7e: {  	_ =	shalt  }
0x7f: {  	_ =	shalt  }
0x80: {  	_ =	shalt  }
0x81: {  	_ =	shalt  }
0x82: {  	_ =	shalt  }
0x83: {  	_ =	shalt  }
0x84: {  	_ =	shalt  }
0x85: {  	_ =	shalt  }
0x86: {  	_ =	shalt  }
0x87: {  	_ =	shalt  }
.Lfunc_end0:
.L_simem_size_0:
called_computation.1_lowered:
.L_overlay_start_0:
0x88: {  	s2 =	sld [smem:$0x3FD9]  }
0x89: {  	s3 =	sld [smem:$0x3FFE];
	_ =	sdelay $0x1  }
0x8a: {  	s1 =	srdreg.scid  }
0x8b: {  	s0 =	sand.u32 $0x1, s1  }
0x8c: {  	s16 =	sshll.u32 s0, $0xA;
	s2 =	sadd.s32 s3, s2  }
0x8d: {  	s2 =	sadd.s32 s2, s16  }
0x8e: {  	[smem:$0x3FBD] =	sst s2  }
0x8f: {  	_ = 	snop  }
0x90: {  	(tm) =	ssettm $0x1  }
0x91: {  	s17 =	sld [smem:$0x3FFB];
	_ =	sdelay $0x3  }
0x92: {  	_ =	strace s17  }
0x93: {  	s2 =	sld [smem:$0x3FFC];
	_ =	sdelay $0x3  }
0x94: {  	_ =	strace s2  }
0x95: {  	s2 =	sld [smem:$0x3FFD];
	_ =	sdelay $0x3  }
0x96: {  	_ =	strace s2  }
0x97: {  	_ =	strace $0x8FFFFFFF  }
0x98: {  	s18 =	sld [smem:$0x3FDB];
	_ =	sdelay $0x1  }
0x99: {  	s19 =	simm.s32 $_scs_section_size  }
0x9a: {  	s4 =	simm.s32 $_size__tile_overlayer_lowered;
	s5 =	simm.s32 $_tile_overlayer_lowered  }
0x9b: {  	s22 =	simm.s32 $0x1BFF;
	s21 =	sshll.u32 s5, $0x1;
	s2 =	sadd.s32 s19, s18  }
0x9c: {  	s6 =	simm.s32 $0x0;
	s20 =	sshll.u32 s4, $0x1;
	s4 =	sadd.s32 s21, s2  }
0x9d: {  	[timem:s6], [sflag:s22] =	dma.local [hbm:s4], s20  }
0x9e: {  	_ =	swait.ge [sflag:s22], s20  }
0x9f: {  	s3 =	ssub.s32 $0x0, s20;
	[sflag:s22] =	ssyncset.done $0x0  }
0xa0: {  	[sflag:s22] =	ssyncadd.s32 s3;
	_ =	sdelay $0x1  }
0xa1: {  	s23 =	simm.s32 $0x1B8B  }
0xa2: {  	_ =	swait.ge [sflag:s23], $0x1  }
0xa3: {  	[sflag:s23] =	ssyncset.done $0x0  }
0xa4: {  	s25 =	simm.s32 $0x1B8E;
	s24 =	sld [smem:$0x3FFE];
	[sflag:s23] =	ssyncadd.s32 $0xFFFFFFFF  }
0xa5: {  	s26 =	simm.s32 $execute0_lowered;
	[smem:$0x3FD2] =	sst s25  }
0xa6: {  	s4 =	sshll.u32 s26, $0x1;
	_ =	strace $0x80000049;
	[dreg:$0x1] =	wrdreg $0xFFFFFFFF  }
0xa7: {  	s28 =	simm.s32 $_size_execute0_lowered;
	s2 =	sadd.s32 s2, s4;
	[dreg:$0x0] =	wrdreg $0x0  }
0xa8: {  	s4 =	sshll.u32 s28, $0x1;
	[dreg:$0x2] =	wrdreg s2  }
0xa9: {  	[dreg:$0x3] =	wrdreg s4  }
0xaa: {  	[dreg:$0x4] =	wrdreg $0xC0  }
0xab: {  	_ =	task [dreg:s6], $0x5FFFF  }
0xac: {  	[dreg:$0x1] =	wrdreg $0xFFFFFFFF  }
0xad: {  	[dreg:$0x0] =	wrdreg $0x60  }
0xae: {  	[dreg:$0x2] =	wrdreg s24  }
0xaf: {  	[dreg:$0x3] =	wrdreg $0x91000  }
0xb0: {  	[dreg:$0x4] =	wrdreg $0x9  }
0xb1: {  	_ =	task.clear_ibuf [dreg:s6], $0x5FFFF;
	_ =	strace $0x90000049  }
0xb2: {  	s29 =	simm.s32 $0x9;
	_ =	strace $0x8000004B  }
0xb3: {  	_ =	swait.ge [sflag:s29], $0x1  }
0xb4: {  	[sflag:s29] =	ssyncadd.s32 $0xFFFFFFFF  }
0xb5: {  	_ =	strace $0x9000004B  }
0xb6: {  	_ =	sfence  }
0xb7: {  	s30 =	sld [smem:$0x0];
	_ =	sdelay $0x2  }
0xb8: {  	s31 =	sshll.u32 s1, $0xD;
	s1 =	sshrl.u32 s1, $0x2  }
0xb9: {  	s3 =	sand.u32 $0x4000, s31;
	s1 =	sadd.s32 s1, s30  }
0xba: {  	s0 =	sor.u32 s3, s0;
	s1 =	sshll.u32 s1, $0x11  }
0xbb: {  	s0 =	sor.u32 s1, s0  }
0xbc: {  	s0 =	sadd.s32 $0x8F2B, s0  }
0xbd: {  	[sflag:s0] =	ssyncadd.remote.s32 $0x1  }
0xbe: {  	_ =	sfence.sel $0xFFFF  }
0xbf: {  	[dreg:$0x0] =	wrdreg $0xFFFFFFFF;
	(pc) =	sbr.abs _section_cstart, $3  }
0xc0: {  	[dreg:$0x1] =	wrdreg $0xFFFFFFFF  }
0xc1: {  	_ =	task.clear_ibuf [dreg:s6], $0x2FFFF;
	_ =	strace $0x9FFFFFFF  }
0xc2: {  	(tm) =	ssettm $0x7FFFFFFF  }
0xc3: {  	_ =	shalt  }
tec
execute0_lowered:
.L_overlay_start_1:
0x0: {  	(tag) =	ssettag $0x1  }
0x1: {  	s0 =	rddreg [dreg:$0x0]  }
0x2: {  	s2 =	rddreg [dreg:$0x1]  }
0x3: {  	s3 =	simm.s32 $0x0;
	s10 =	stileid.u32;
	s1 =	srdreg.scid  }
0x4: {  	s28 =	simm.s32 $0x50;
	s29 =	simm.s32 $0x4080;
	s30 =	simm.s32 $0x2  }
0x5: {  	s31 =	simm.s32 $0x6900;
	[smem:$0x7FF] =	sst s3;
	s6 =	smul.u32 $0x4E000, s10  }
0x6: {  	s4 =	sadd.s32 $0x2C00, s0;
	s1 =	sand.u32 $0x1, s1;
	s5 =	sadd.s32 $0x70E00, s0  }
0x7: {  	s0 =	sadd.s32 $0x98000, s0;
	s20 =	sshll.u32 s10, $0xF;
	s23 =	smul.u32 $0x13800, s10  }
0x8: {  	s16 =	sadd.s32 $0x138000, s2;
	p0 =	sne.s32 s10, $0xF;
	s6 =	sshrl.u32 s6, $0x2  }
0x9: {  	_ =	strace $0x8000004A;
	s7 =	ssub.s32 $0x2, s1;
	s6 =	sadd.s32 s6, s2  }
0xa: {  	s9 =	sshll.u32 s1, $0xE;
	s1 =	smul.u32 $0x138800, s1;
	s17 =	sadd.s32 $0x2800, s6  }
0xb: {  	s8 =	sshrl.u32 s7, $0x1;
	s18 =	sadd.s32 $0x5000, s6;
	[dreg:$0x3] =	wrdreg s17  }
0xc: {  	s7 =	ssub.s32 s7, s8;
	s19 =	sadd.s32 $0x7800, s6;
	[dreg:$0x4] =	wrdreg s18  }
0xd: {  	s25 =	sadd.s32 s23, s1;
	s11 =	sadd.s32 $0xA000, s6;
	[dreg:$0x5] =	wrdreg s19  }
0xe: {  	s1 =	sshrl.u32 s1, $0x3;
	s21 =	sadd.s32 $0xC800, s6;
	[dreg:$0x6] =	wrdreg s11  }
0xf: {  	s12 =	sadd.s32 $0xF000, s6;
	s11 =	sor.u32 s9, s20;
	[dreg:$0x7] =	wrdreg s21  }
0x10: {  	s24 =	sadd.s32 $0x11800, s6;
	[dreg:$0x8] =	wrdreg s12;
	s22 =	sshrl.u32 s11, $0x3  }
0x11: {  	s23 =	simm.s32 $0x4100;
	[dreg:$0x9] =	wrdreg s24;
	s15 =	sadd.s32 s4, s22  }
0x12: {  	s24 =	simm.s32 $0x7;
	s9 =	simm.s32 $0x0;
	s8 =	sadd.s32 $0x10000, s15  }
0x13: {  	s22 =	smax.u32 s7, $0x1;
	s26 =	sadd.s32 $0x10, s15;
	[dreg:$0xa] =	wrdreg s8  }
0x14: {  	s7 =	simm.s32 $0x4;
	s19 =	sadd.s32 $0x20, s15;
	[dreg:$0xb] =	wrdreg s26  }
0x15: {  	s8 =	sshrl.u32 s25, $0x3;
	s25 =	simm.s32 $0x4000;
	s26 =	simm.s32 $0x1  }
0x16: {  	s20 =	sadd.s32 s0, s8;
	s0 =	sadd.s32 s0, s1;
	s1 =	simm.s32 $0x5  }
0x17: {  	v0 =	vimm.f32 $0.0e+00;
	s8 =	simm.s32 $0x6;
	s21 =	sadd.s32 $0x27000, s0;
	s0 =	simm.s32 $0x3  }
.LBB2_1:
0x18: {  	s10 =	simm.s32 $0x0;
	s12 =	simm.s32 $0x200  }
.LBB2_2:
0x19: {  	p1 =	sne.s32 s12, $0x9E00;
	[tilespmem:s10+$0x4170] =	vst v0  }
0x1a: {  	[tilespmem:s10+$0x4100] =	vst v0  }
0x1b: {  	[tilespmem:s10+$0x4110] =	vst v0  }
.Ltmp0:
0x1c: {  	[tilespmem:s10+$0x4120] =	vst v0;
	(pc) =	sbr.rel @p1 .LBB2_2-.Ltmp0, $4  }
0x1d: {  	[tilespmem:s10+$0x4130] =	vst v0  }
0x1e: {  	[tilespmem:s10+$0x4140] =	vst v0  }
0x1f: {  	[tilespmem:s10+$0x4150] =	vst v0  }
0x20: {  	[tilespmem:s10+$0x4160] =	vst v0;
	s10 =	sshra.s32 s12, $0x2;
	s12 =	sadd.s32 $0x200, s12  }
0x21: {  	[tilespmem:s10+$0x4170] =	vst v0  }
0x22: {  	[tilespmem:s10+$0x4100] =	vst v0  }
0x23: {  	[tilespmem:s10+$0x4110] =	vst v0  }
0x24: {  	[tilespmem:s10+$0x4120] =	vst v0  }
0x25: {  	[tilespmem:s10+$0x4130] =	vst v0  }
0x26: {  	[tilespmem:s10+$0x4140] =	vst v0  }
0x27: {  	[tilespmem:s10+$0x4150] =	vst v0  }
0x28: {  	[tilespmem:s10+$0x4160] =	vst v0  }
0x29: {  	[spmem:s6] =	stream.linear.scatter [tilespmem:s23], [sflag:$0x7], $0x2800, $0x38;
	[tilespmem:$0x1C980] =	vst v63  }
0x2a: {  	_ =	swait.ge [sflag:s24], $0x2800  }
0x2b: {  	[sflag:s24] =	ssyncset.done $0x0  }
0x2c: {  	s14 =	rddreg [dreg:$0x3];
	[sflag:s24] =	ssyncadd.s32 $0xFFFFD800  }
0x2d: {  	[spmem:s14] =	stream.linear.scatter [tilespmem:s23], [sflag:$0x7], $0x2800, $0x38;
	[tilespmem:$0x1C980] =	vst v63  }
0x2e: {  	_ =	swait.ge [sflag:s24], $0x2800  }
0x2f: {  	[sflag:s24] =	ssyncset.done $0x0  }
0x30: {  	s17 =	rddreg [dreg:$0x4];
	[sflag:s24] =	ssyncadd.s32 $0xFFFFD800  }
0x31: {  	[spmem:s17] =	stream.linear.scatter [tilespmem:s23], [sflag:$0x7], $0x2800, $0x38;
	[tilespmem:$0x1C980] =	vst v63  }
0x32: {  	_ =	swait.ge [sflag:s24], $0x2800  }
0x33: {  	[sflag:s24] =	ssyncset.done $0x0  }
0x34: {  	s18 =	rddreg [dreg:$0x5];
	[sflag:s24] =	ssyncadd.s32 $0xFFFFD800  }
0x35: {  	[spmem:s18] =	stream.linear.scatter [tilespmem:s23], [sflag:$0x7], $0x2800, $0x38;
	[tilespmem:$0x1C980] =	vst v63  }
0x36: {  	_ =	swait.ge [sflag:s24], $0x2800  }
0x37: {  	[sflag:s24] =	ssyncset.done $0x0  }
0x38: {  	s12 =	rddreg [dreg:$0x6];
	[sflag:s24] =	ssyncadd.s32 $0xFFFFD800  }
0x39: {  	[spmem:s12] =	stream.linear.scatter [tilespmem:s23], [sflag:$0x7], $0x2800, $0x38;
	[tilespmem:$0x1C980] =	vst v63  }
0x3a: {  	_ =	swait.ge [sflag:s24], $0x2800  }
0x3b: {  	[sflag:s24] =	ssyncset.done $0x0  }
0x3c: {  	s13 =	rddreg [dreg:$0x7];
	[sflag:s24] =	ssyncadd.s32 $0xFFFFD800  }
0x3d: {  	[spmem:s13] =	stream.linear.scatter [tilespmem:s23], [sflag:$0x7], $0x2800, $0x38;
	[tilespmem:$0x1C980] =	vst v63  }
0x3e: {  	_ =	swait.ge [sflag:s24], $0x2800  }
0x3f: {  	[sflag:s24] =	ssyncset.done $0x0  }
0x40: {  	s14 =	rddreg [dreg:$0x8];
	[sflag:s24] =	ssyncadd.s32 $0xFFFFD800  }
0x41: {  	[spmem:s14] =	stream.linear.scatter [tilespmem:s23], [sflag:$0x7], $0x2800, $0x38;
	[tilespmem:$0x1C980] =	vst v63  }
0x42: {  	_ =	swait.ge [sflag:s24], $0x2800  }
0x43: {  	[sflag:s24] =	ssyncset.done $0x0  }
0x44: {  	s17 =	rddreg [dreg:$0x9];
	[sflag:s24] =	ssyncadd.s32 $0xFFFFD800  }
0x45: {  	[spmem:s17] =	stream.linear.scatter [tilespmem:s23], [sflag:$0x7], $0x2000, $0x38;
	[tilespmem:$0x1C980] =	vst v63  }
0x46: {  	_ =	swait.ge [sflag:s24], $0x2000  }
0x47: {  	[sflag:s24] =	ssyncset.done $0x0  }
0x48: {  	s10 =	simm.s32 @!p0 $0x4100;
	[sflag:s24] =	ssyncadd.s32 $0xFFFFE000  }
0x49: {  	[spmem:s16] =	stream.linear.scatter @!p0 [tilespmem:s10], [sflag:$0x7], $0x800, $0x38;
	[tilespmem:$0x1C980] =	vst v63  }
0x4a: {  	s10 =	simm.s32 @!p0 $0x7  }
0x4b: {  	_ =	swait.ge @!p0 [sflag:s10], $0x800  }
0x4c: {  	[sflag:s10] =	ssyncset.done @!p0 $0x0  }
0x4d: {  	[sflag:s10] =	ssyncadd.s32 @!p0 $0xFFFFF800  }
0x4e: {  	[bflag:$0x0] =	sbarrier.arrive $0xFFFF  }
0x4f: {  	s18 =	rddreg [dreg:$0xa]  }
0x50: {  	[tilespmem:s3], [sflag:$0x7] =	stream.linear.gather [hbm4b:s18+s3], $0x3E80, $0x38;
	[tilespmem:$0x1C980] =	vst v63  }
0x51: {  	_ =	swait.ge [sflag:s24], $0x3E80  }
0x52: {  	[sflag:s24] =	ssyncset.done $0x0  }
0x53: {  	[sflag:s24] =	ssyncadd.s32 $0xFFFFC180  }
0x54: {  	[tilespmem:s25], [sflag:$0x1] =	stream.linear.gather [hbm4b:s15+s3], $0x80, $0x38;
	[tilespmem:$0x1C980] =	vst v63  }
0x55: {  	_ =	swait.ge [sflag:s26], $0x80  }
0x56: {  	[sflag:s26] =	ssyncset.done $0x0  }
0x57: {  	[sflag:s26] =	ssyncadd.s32 $0xFFFFFF80  }
0x58: {  	[tilespmem:s23], [sflag:$0x3] =	stream.indirect.gather [hbm4b:s5+s28], $0x80, s25, s28, $0xb8;
	[tilespmem:$0x1C980] =	vst v63  }
0x59: {  	s12 =	rddreg [dreg:$0xb]  }
0x5a: {  	[tilespmem:s29], [sflag:$0x2] =	stream.linear.gather [hbm4b:s12+s3], $0x80, $0x38;
	[tilespmem:$0x1C980] =	vst v63  }
0x5b: {  	_ =	swait.ge [sflag:s30], $0x80  }
0x5c: {  	[sflag:s30] =	ssyncset.done $0x0  }
0x5d: {  	[sflag:s30] =	ssyncadd.s32 $0xFFFFFF80  }
0x5e: {  	[tilespmem:s31], [sflag:$0x4] =	stream.indirect.gather [hbm4b:s5+s28], $0x80, s29, s28, $0xb8;
	[tilespmem:$0x1C980] =	vst v63  }
0x5f: {  	_ =	swait.ge [sflag:s0], $0x2800  }
0x60: {  	[sflag:s0] =	ssyncset.done $0x0  }
0x61: {  	[sflag:s0] =	ssyncadd.s32 $0xFFFFD800  }
0x62: {  	[tilespmem:s25], [sflag:$0x1] =	stream.linear.gather [hbm4b:s19+s3], $0x80, $0x38;
	[tilespmem:$0x1C980] =	vst v63  }
0x63: {  	_ = 	snop  }
0x64: {  	[spmem:s2] =	stream.indirect.scatter.add.f32 [tilespmem:s23], [sflag:$0x5], $0x80, s3, s28, $0xb8;
	[tilespmem:$0x1C980] =	vst v63  }
0x65: {  	_ =	swait.ge [sflag:s26], $0x80  }
0x66: {  	[sflag:s26] =	ssyncset.done $0x0  }
0x67: {  	[sflag:s26] =	ssyncadd.s32 $0xFFFFFF80  }
0x68: {  	s13 =	simm.s32 $0x180;
	_ =	swait.ge [sflag:s1], $0x2800  }
0x69: {  	s12 =	sand.u32 $0x7C00, s13;
	[sflag:s1] =	ssyncset.done $0x0  }
0x6a: {  	s10 =	sand.u32 $0x380, s13;
	s12 =	sadd.s32 s11, s12;
	[sflag:s1] =	ssyncadd.s32 $0xFFFFD800  }
0x6b: {  	[tilespmem:s23], [sflag:$0x3] =	stream.indirect.gather [hbm4b:s5+s28], $0x80, s25, s28, $0xb8;
	[tilespmem:$0x1C980] =	vst v63  }
0x6c: {  	s10 =	sor.u32 s10, s12;
	_ =	swait.ge [sflag:s7], $0x2800  }
0x6d: {  	s10 =	sshrl.u32 s10, $0x3;
	[sflag:s7] =	ssyncset.done $0x0  }
0x6e: {  	s10 =	sadd.s32 s4, s10;
	[sflag:s7] =	ssyncadd.s32 $0xFFFFD800  }
0x6f: {  	[tilespmem:s29], [sflag:$0x2] =	stream.linear.gather [hbm4b:s10+s3], $0x80, $0x38;
	[tilespmem:$0x1C980] =	vst v63  }
0x70: {  	s14 =	simm.s32 $0x80  }
0x71: {  	[spmem:s2] =	stream.indirect.scatter.add.f32 [tilespmem:s31], [sflag:$0x6], $0x80, s14, s28, $0xb8;
	[tilespmem:$0x1C980] =	vst v63  }
0x72: {  	_ =	swait.ge [sflag:s30], $0x80  }
0x73: {  	[sflag:s30] =	ssyncset.done $0x0  }
0x74: {  	[sflag:s30] =	ssyncadd.s32 $0xFFFFFF80  }
0x75: {  	s17 =	simm.s32 $0x200;
	_ =	swait.ge [sflag:s8], $0x2800  }
0x76: {  	s18 =	sand.u32 $0x7C00, s17;
	[sflag:s8] =	ssyncset.done $0x0  }
0x77: {  	s12 =	sadd.s32 s11, s18;
	s10 =	sand.u32 $0x300, s17;
	[sflag:s8] =	ssyncadd.s32 $0xFFFFD800  }
0x78: {  	[tilespmem:s31], [sflag:$0x4] =	stream.indirect.gather [hbm4b:s5+s28], $0x80, s29, s28, $0xb8;
	[tilespmem:$0x1C980] =	vst v63  }
0x79: {  	s10 =	sor.u32 s10, s12;
	_ =	swait.ge [sflag:s0], $0x2800  }
0x7a: {  	s10 =	sshrl.u32 s10, $0x3;
	[sflag:s0] =	ssyncset.done $0x0  }
0x7b: {  	s10 =	sadd.s32 s4, s10;
	[sflag:s0] =	ssyncadd.s32 $0xFFFFD800  }
0x7c: {  	[tilespmem:s25], [sflag:$0x1] =	stream.linear.gather [hbm4b:s10+s3], $0x80, $0x38;
	[tilespmem:$0x1C980] =	vst v63  }
0x7d: {  	s13 =	simm.s32 $0x100;
	s12 =	simm.s32 $0x300;
	s10 =	simm.s32 $0x100  }
.LBB2_4:
0x7e: {  	p1 =	sne.s32 s12, $0x3E00  }
0x7f: {  	s10 =	sadd.s32 $0x100, s10;
	s14 =	smov.u32 s12;
	s12 =	sadd.s32 $0x100, s12  }
0x80: {  	[spmem:s2] =	stream.indirect.scatter.add.f32 [tilespmem:s23], [sflag:$0x5], $0x80, s13, s28, $0xb8;
	[tilespmem:$0x1C980] =	vst v63  }
0x81: {  	s13 =	smov.u32 s10;
	_ =	swait.ge [sflag:s26], $0x80  }
0x82: {  	[sflag:s26] =	ssyncset.done $0x0  }
0x83: {  	[sflag:s26] =	ssyncadd.s32 $0xFFFFFF80  }
0x84: {  	_ =	swait.ge [sflag:s1], $0x2800  }
0x85: {  	s17 =	sadd.s32 $0xFFFFFF80, s14;
	[sflag:s1] =	ssyncset.done $0x0  }
0x86: {  	s18 =	sand.u32 $0x7C00, s17;
	s17 =	sand.u32 $0x380, s17;
	[sflag:s1] =	ssyncadd.s32 $0xFFFFD800  }
0x87: {  	[tilespmem:s23], [sflag:$0x3] =	stream.indirect.gather [hbm4b:s5+s28], $0x80, s25, s28, $0xb8;
	[tilespmem:$0x1C980] =	vst v63  }
0x88: {  	s18 =	sadd.s32 s11, s18;
	_ =	swait.ge [sflag:s7], $0x2800  }
0x89: {  	s17 =	sor.u32 s17, s18;
	[sflag:s7] =	ssyncset.done $0x0  }
0x8a: {  	s17 =	sshrl.u32 s17, $0x3;
	[sflag:s7] =	ssyncadd.s32 $0xFFFFD800  }
0x8b: {  	s18 =	sadd.s32 $0xFFFFFF80, s10;
	s17 =	sadd.s32 s4, s17  }
0x8c: {  	[tilespmem:s29], [sflag:$0x2] =	stream.linear.gather [hbm4b:s17+s3], $0x80, $0x38;
	[tilespmem:$0x1C980] =	vst v63  }
0x8d: {  	_ = 	snop  }
0x8e: {  	[spmem:s2] =	stream.indirect.scatter.add.f32 [tilespmem:s31], [sflag:$0x6], $0x80, s18, s28, $0xb8;
	[tilespmem:$0x1C980] =	vst v63  }
0x8f: {  	_ =	swait.ge [sflag:s30], $0x80  }
0x90: {  	[sflag:s30] =	ssyncset.done $0x0  }
0x91: {  	[sflag:s30] =	ssyncadd.s32 $0xFFFFFF80  }
0x92: {  	_ =	swait.ge [sflag:s8], $0x2800  }
0x93: {  	s17 =	sand.u32 $0x7C00, s14;
	[sflag:s8] =	ssyncset.done $0x0  }
0x94: {  	s14 =	sand.u32 $0x300, s14;
	s17 =	sadd.s32 s11, s17;
	[sflag:s8] =	ssyncadd.s32 $0xFFFFD800  }
0x95: {  	[tilespmem:s31], [sflag:$0x4] =	stream.indirect.gather [hbm4b:s5+s28], $0x80, s29, s28, $0xb8;
	[tilespmem:$0x1C980] =	vst v63  }
.Ltmp1:
0x96: {  	_ = 	snop;
	(pc) =	sbr.rel @p1 .LBB2_4-.Ltmp1, $4  }
0x97: {  	s14 =	sor.u32 s14, s17;
	_ =	swait.ge [sflag:s0], $0x2800  }
0x98: {  	s14 =	sshrl.u32 s14, $0x3;
	[sflag:s0] =	ssyncset.done $0x0  }
0x99: {  	s14 =	sadd.s32 s4, s14;
	[sflag:s0] =	ssyncadd.s32 $0xFFFFD800  }
0x9a: {  	[tilespmem:s25], [sflag:$0x1] =	stream.linear.gather [hbm4b:s14+s3], $0x80, $0x38;
	[tilespmem:$0x1C980] =	vst v63  }
0x9b: {  	[spmem:s2] =	stream.indirect.scatter.add.f32 [tilespmem:s23], [sflag:$0x5], $0x80, s13, s28, $0xb8;
	[tilespmem:$0x1C980] =	vst v63  }
0x9c: {  	_ =	swait.ge [sflag:s26], $0x80  }
0x9d: {  	[sflag:s26] =	ssyncset.done $0x0  }
0x9e: {  	[sflag:s26] =	ssyncadd.s32 $0xFFFFFF80  }
0x9f: {  	_ =	swait.ge [sflag:s1], $0x2800  }
0xa0: {  	[sflag:s1] =	ssyncset.done $0x0  }
0xa1: {  	[sflag:s1] =	ssyncadd.s32 $0xFFFFD800  }
0xa2: {  	[tilespmem:s23], [sflag:$0x3] =	stream.indirect.gather [hbm4b:s5+s28], $0x80, s25, s28, $0xb8;
	[tilespmem:$0x1C980] =	vst v63  }
0xa3: {  	_ =	swait.ge [sflag:s7], $0x2800  }
0xa4: {  	[sflag:s7] =	ssyncset.done $0x0  }
0xa5: {  	s10 =	simm.s32 $0x3D80;
	[sflag:s7] =	ssyncadd.s32 $0xFFFFD800  }
0xa6: {  	[spmem:s2] =	stream.indirect.scatter.add.f32 [tilespmem:s31], [sflag:$0x6], $0x80, s10, s28, $0xb8;
	[tilespmem:$0x1C980] =	vst v63  }
0xa7: {  	_ =	swait.ge [sflag:s0], $0x2800  }
0xa8: {  	[sflag:s0] =	ssyncset.done $0x0  }
0xa9: {  	s17 =	simm.s32 $0x3E00;
	[sflag:s0] =	ssyncadd.s32 $0xFFFFD800  }
0xaa: {  	[spmem:s2] =	stream.indirect.scatter.add.f32 [tilespmem:s23], [sflag:$0x5], $0x80, s17, s28, $0xb8;
	[tilespmem:$0x1C980] =	vst v63  }
0xab: {  	_ =	swait.ge [sflag:s8], $0x2800  }
0xac: {  	[sflag:s8] =	ssyncset.done $0x0  }
0xad: {  	[sflag:s8] =	ssyncadd.s32 $0xFFFFD800  }
0xae: {  	_ =	swait.ge [sflag:s1], $0x2800  }
0xaf: {  	s18 =	stileid.u32;
	[sflag:s1] =	ssyncset.done $0x0  }
0xb0: {  	s10 =	sshll.u32 s18, $0x6;
	[sflag:s1] =	ssyncadd.s32 $0xFFFFD800  }
0xb1: {  	s12 =	sshrl.u32 s6, $0x3;
	s10 =	sor.u32 $0x1C07, s10;
	[bflag:$0x0] =	sbarrier.arrive $0xFFFF  }
0xb2: {  	[hbm:s20], [sflag:s10] =	dma.local [spmem:s12], $0x2700  }
0xb3: {  	_ =	swait.ge [sflag:s24], $0x2700  }
0xb4: {  	s9 =	sadd.s32 $0x1, s9;
	[sflag:s24] =	ssyncset.done $0x0  }
0xb5: {  	p1 =	sne.s32 s9, s22;
	s12 =	sshrl.u32 @!p0 s16, $0x3;
	[sflag:s24] =	ssyncadd.s32 $0xFFFFD900  }
0xb6: {  	[hbm:s21], [sflag:s10] =	dma.local @!p0 [spmem:s12], $0x100  }
.Ltmp2:
0xb7: {  	_ = 	snop;
	(pc) =	sbr.rel @p1 .LBB2_1-.Ltmp2, $4  }
0xb8: {  	s10 =	simm.s32 @!p0 $0x7  }
0xb9: {  	_ =	swait.ge @!p0 [sflag:s10], $0x100  }
0xba: {  	[sflag:s10] =	ssyncset.done @!p0 $0x0  }
0xbb: {  	[sflag:s10] =	ssyncadd.s32 @!p0 $0xFFFFFF00  }
0xbc: {  	_ =	sfence.sel $0x180000  }
0xbd: {  	[bflag:$0x0] =	sbarrier.arrive $0xFFFF  }
0xbe: {  	_ =	strace $0x9000004A  }
0xbf: {  	s0 =	stileid.u32;
	[bflag:$0x2] =	sbarrier.arrive $0xFFFF  }
0xc0: {  	p0 =	sne.s32 s0, $0x0;
	s0 =	rddreg [dreg:$0x2]  }
0xc1: {  	s0 =	sadd.s32 @!p0 $0x100000, s0  }
0xc2: {  	[sflag:s0] =	ssyncadd.tile.s32 @!p0 $0x1;
	_ =	shalt  }
.Lfunc_end2:
_tile_overlayer_lowered:
.L_overlay_start_2:
0xc3: {  	(tag) =	ssettag $0x2  }
0xc4: {  	s0 =	rddreg [dreg:$0x0];
	s2 =	stileid.u32  }
0xc5: {  	s1 =	rddreg [dreg:$0x1];
	p0 =	sne.s32 s2, $0x0  }
0xc6: {  	s3 =	rddreg [dreg:$0x2];
	[bflag:$0x3] =	sbarrier.arrive $0xFFFF;
	s2 =	simm.s32 @!p0 $0x1C07  }
0xc7: {  	[timem:s3], [sflag:s2] =	dma.local @!p0 [hbm:s0], s1  }
0xc8: {  	s0 =	simm.s32 @!p0 $0x7  }
0xc9: {  	_ =	swait.ge @!p0 [sflag:s0], s1  }
0xca: {  	s1 =	ssub.s32 @!p0 $0x0, s1;
	[sflag:s0] =	ssyncset.done @!p0 $0x0  }
0xcb: {  	[sflag:s0] =	ssyncadd.s32 @!p0 s1  }
0xcc: {  	[bflag:$0x3] =	sbarrier.arrive $0xFFFF  }
0xcd: {  	_ =	shalt  }

// kernel: kernel.7.cloned.1.call-start
scs
__scs_entry_jumppad:
0x0: {  	(pc) =	sbr.rel $0x88, $3  }
0x1: {  	(tag) =	ssettag $0x0;
	lr =	simm.s32 $0x1  }
0x2: {  	[smem:$0x3F96] =	sst lr;
	_ =	strace $0xD0000000  }
0x3: {  	_ = 	snop  }
0x4: {  	_ = 	snop  }
0x5: {  	_ = 	snop  }
0x6: {  	_ = 	snop  }
0x7: {  	_ = 	snop  }
__scs_overlays_trampoline_lowered:
0x8: {  	[smem:$0x3FA5] =	sst s0  }
0x9: {  	[smem:$0x3FA6] =	sst s1  }
0xa: {  	[smem:$0x3FA7] =	sst s2  }
0xb: {  	[smem:$0x3FA8] =	sst s3  }
0xc: {  	[smem:$0x3FA9] =	sst s4  }
0xd: {  	[smem:$0x3FAA] =	sst s5  }
0xe: {  	[smem:$0x3FAB] =	sst s6  }
0xf: {  	[smem:$0x3FAC] =	sst s7  }
0x10: {  	[smem:$0x3FAD] =	sst s8  }
0x11: {  	[smem:$0x3FAE] =	sst s9;
	s0 =	simm.s32 @!p0 $0x0  }
0x12: {  	s1 =	sld [smem:$0x3F94];
	s0 =	simm.s32 @p0 $0x1  }
0x13: {  	[smem:$0x3FAF] =	sst s0;
	s0 =	simm.s32 @!p1 $0x0  }
0x14: {  	s2 =	sld [smem:$0x3F93];
	s0 =	simm.s32 @p1 $0x1  }
0x15: {  	[smem:$0x3FB0] =	sst s0;
	s0 =	simm.s32 @!p2 $0x0  }
0x16: {  	s3 =	sld [smem:$0x3FDB];
	s0 =	simm.s32 @p2 $0x1  }
0x17: {  	s4 =	simm.s32 $0x1BF5;
	[smem:$0x3FB2] =	sst s0  }
0x18: {  	s0 =	sld [smem:$0x3F95];
	_ =	swait.ge [sflag:s4], $0x0  }
0x19: {  	s7 =	sld [smem:$0x3F96]  }
0x1a: {  	s8 =	sadd.s32 $0xFFFFE003, lr  }
0x1b: {  	s9 =	sadd.s32 $0xFFFFFEF7, lr;
	s5 =	simm.s32 $0xFFFFFFFF;
	p2 =	slt.u32 s8, $0xFFFFF086  }
0x1c: {  	p1 =	slt.u32 s9, $0xF7A;
	s5 =	simm.s32 @!p2 $0x0  }
0x1d: {  	s5 =	simm.s32 @p1 $0x1;
	p0 =	seq.s32 s7, s2  }
0x1e: {  	s7 =	smul.u32 @!p0 $0xF7A, s2;
	p2 =	seq.s32 @!p0 s5, $0x0  }
0x1f: {  	s9 =	smul.u32 $0xF7A, s1;
	s8 =	simm.s32 @!p0 $0x1BF5;
	p2 =	por !p2, p0  }
0x20: {  	[sflag:s8] =	ssyncset.s32 @!p0 $0xFFFFF086;
	s6 =	sadd.s32 @!p0 s3, s7;
	s7 =	simm.s32 @!p0 $0x108  }
0x21: {  	s3 =	sadd.s32 s3, s9;
	s6 =	sadd.s32 @!p0 $0x88, s6;
	s7 =	simm.s32 @p2 $0x1082  }
0x22: {  	[simem:s7], [sflag:s8] =	dma.local @!p0 [hbm:s6], $0xF7A  }
0x23: {  	s9 =	sor.u32 $0xD0000000, s2;
	s6 =	simm.s32 $0x108;
	_ =	swait.ge @!p0 [sflag:s8], $0x0  }
0x24: {  	s3 =	sadd.s32 $0x88, s3;
	s6 =	simm.s32 @!p1 $0x1082;
	[sflag:s4] =	ssyncset.s32 $0xFFFFF086  }
0x25: {  	[simem:s6], [sflag:s4] =	dma.local [hbm:s3], $0xF7A  }
0x26: {  	[smem:$0x3F96] =	sst s1;
	(tag) =	ssettag s2;
	_ =	strace s9  }
0x27: {  	s1 =	sld [smem:$0x3FA6]  }
0x28: {  	s2 =	sld [smem:$0x3FA7]  }
0x29: {  	s4 =	sld [smem:$0x3FA9]  }
0x2a: {  	p0 =	seq.s32 s5, $0x0;
	s5 =	sld [smem:$0x3FAA]  }
0x2b: {  	s6 =	sld [smem:$0x3FAB]  }
0x2c: {  	s7 =	sld [smem:$0x3FAC]  }
0x2d: {  	s3 =	simm.s32 $0x108;
	s8 =	sld [smem:$0x3FAD]  }
0x2e: {  	s3 =	simm.s32 @!p0 $0x1082;
	s9 =	sld [smem:$0x3FAE]  }
0x2f: {  	lr =	sadd.s32 s0, s3;
	s0 =	sld [smem:$0x3FA5]  }
0x30: {  	s3 =	sld [smem:$0x3FA8]  }
0x31: {  	[smem:$0x3FB1] =	sst s10  }
0x32: {  	s10 =	sld [smem:$0x3FAF];
	_ =	sdelay $0x3  }
0x33: {  	p0 =	seq.s32 s10, $0x1;
	s10 =	sld [smem:$0x3FB1];
	_ =	sdelay $0x3  }
0x34: {  	[smem:$0x3FB1] =	sst s10  }
0x35: {  	s10 =	sld [smem:$0x3FB0];
	_ =	sdelay $0x3  }
0x36: {  	p1 =	seq.s32 s10, $0x1;
	s10 =	sld [smem:$0x3FB1];
	_ =	sdelay $0x3  }
0x37: {  	[smem:$0x3FB1] =	sst s10  }
0x38: {  	s10 =	sld [smem:$0x3FB2]  }
0x39: {  	_ = 	snop;
	(pc) =	sbr.ind lr, $3  }
0x3a: {  	_ = 	snop  }
0x3b: {  	_ = 	snop  }
0x3c: {  	p2 =	seq.s32 s10, $0x1;
	s10 =	sld [smem:$0x3FB1]  }
0x3d: {  	_ =	shalt  }
0x3e: {  	_ =	shalt  }
0x3f: {  	_ =	shalt  }
0x40: {  	_ =	shalt  }
0x41: {  	_ =	shalt  }
0x42: {  	_ =	shalt  }
0x43: {  	_ =	shalt  }
0x44: {  	_ =	shalt  }
0x45: {  	_ =	shalt  }
0x46: {  	_ =	shalt  }
0x47: {  	_ =	shalt  }
0x48: {  	_ =	shalt  }
0x49: {  	_ =	shalt  }
0x4a: {  	_ =	shalt  }
0x4b: {  	_ =	shalt  }
0x4c: {  	_ =	shalt  }
0x4d: {  	_ =	shalt  }
0x4e: {  	_ =	shalt  }
0x4f: {  	_ =	shalt  }
0x50: {  	_ =	shalt  }
0x51: {  	_ =	shalt  }
0x52: {  	_ =	shalt  }
0x53: {  	_ =	shalt  }
0x54: {  	_ =	shalt  }
0x55: {  	_ =	shalt  }
0x56: {  	_ =	shalt  }
0x57: {  	_ =	shalt  }
0x58: {  	_ =	shalt  }
0x59: {  	_ =	shalt  }
0x5a: {  	_ =	shalt  }
0x5b: {  	_ =	shalt  }
0x5c: {  	_ =	shalt  }
0x5d: {  	_ =	shalt  }
0x5e: {  	_ =	shalt  }
0x5f: {  	_ =	shalt  }
0x60: {  	_ =	shalt  }
0x61: {  	_ =	shalt  }
0x62: {  	_ =	shalt  }
0x63: {  	_ =	shalt  }
0x64: {  	_ =	shalt  }
0x65: {  	_ =	shalt  }
0x66: {  	_ =	shalt  }
0x67: {  	_ =	shalt  }
0x68: {  	_ =	shalt  }
0x69: {  	_ =	shalt  }
0x6a: {  	_ =	shalt  }
0x6b: {  	_ =	shalt  }
0x6c: {  	_ =	shalt  }
0x6d: {  	_ =	shalt  }
0x6e: {  	_ =	shalt  }
0x6f: {  	_ =	shalt  }
0x70: {  	_ =	shalt  }
0x71: {  	_ =	shalt  }
0x72: {  	_ =	shalt  }
0x73: {  	_ =	shalt  }
0x74: {  	_ =	shalt  }
0x75: {  	_ =	shalt  }
0x76: {  	_ =	shalt  }
0x77: {  	_ =	shalt  }
0x78: {  	_ =	shalt  }
0x79: {  	_ =	shalt  }
0x7a: {  	_ =	shalt  }
0x7b: {  	_ =	shalt  }
0x7c: {  	_ =	shalt  }
0x7d: {  	_ =	shalt  }
0x7e: {  	_ =	shalt  }
0x7f: {  	_ =	shalt  }
0x80: {  	_ =	shalt  }
0x81: {  	_ =	shalt  }
0x82: {  	_ =	shalt  }
0x83: {  	_ =	shalt  }
0x84: {  	_ =	shalt  }
0x85: {  	_ =	shalt  }
0x86: {  	_ =	shalt  }
0x87: {  	_ =	shalt  }
.Lfunc_end0:
.L_simem_size_0:
called_computation_lowered:
.L_overlay_start_0:
0x88: {  	s2 =	sld [smem:$0x3FD9]  }
0x89: {  	s3 =	sld [smem:$0x3FFE];
	_ =	sdelay $0x1  }
0x8a: {  	s1 =	srdreg.scid  }
0x8b: {  	s0 =	sand.u32 $0x1, s1  }
0x8c: {  	s16 =	sshll.u32 s0, $0xA;
	s2 =	sadd.s32 s3, s2  }
0x8d: {  	s2 =	sadd.s32 s2, s16  }
0x8e: {  	[smem:$0x3FBD] =	sst s2  }
0x8f: {  	_ = 	snop  }
0x90: {  	(tm) =	ssettm $0x1  }
0x91: {  	s17 =	sld [smem:$0x3FFB];
	_ =	sdelay $0x3  }
0x92: {  	_ =	strace s17  }
0x93: {  	s2 =	sld [smem:$0x3FFC];
	_ =	sdelay $0x3  }
0x94: {  	_ =	strace s2  }
0x95: {  	s2 =	sld [smem:$0x3FFD];
	_ =	sdelay $0x3  }
0x96: {  	_ =	strace s2  }
0x97: {  	_ =	strace $0x8FFFFFFF  }
0x98: {  	s18 =	sld [smem:$0x3FDB];
	_ =	sdelay $0x1  }
0x99: {  	s19 =	simm.s32 $_scs_section_size  }
0x9a: {  	s4 =	simm.s32 $_size__tile_overlayer_lowered;
	s5 =	simm.s32 $_tile_overlayer_lowered  }
0x9b: {  	s22 =	simm.s32 $0x1BFF;
	s21 =	sshll.u32 s5, $0x1;
	s2 =	sadd.s32 s19, s18  }
0x9c: {  	s6 =	simm.s32 $0x0;
	s20 =	sshll.u32 s4, $0x1;
	s4 =	sadd.s32 s21, s2  }
0x9d: {  	[timem:s6], [sflag:s22] =	dma.local [hbm:s4], s20  }
0x9e: {  	_ =	swait.ge [sflag:s22], s20  }
0x9f: {  	s3 =	ssub.s32 $0x0, s20;
	[sflag:s22] =	ssyncset.done $0x0  }
0xa0: {  	[sflag:s22] =	ssyncadd.s32 s3;
	_ =	sdelay $0x1  }
0xa1: {  	s23 =	simm.s32 $0x1B8B  }
0xa2: {  	_ =	swait.ge [sflag:s23], $0x1  }
0xa3: {  	[sflag:s23] =	ssyncset.done $0x0  }
0xa4: {  	s25 =	simm.s32 $0x1B8E;
	s24 =	sld [smem:$0x3FFE];
	[sflag:s23] =	ssyncadd.s32 $0xFFFFFFFF  }
0xa5: {  	s26 =	simm.s32 $execute0_lowered;
	[smem:$0x3FD2] =	sst s25  }
0xa6: {  	s4 =	sshll.u32 s26, $0x1;
	_ =	strace $0x80000046;
	[dreg:$0x1] =	wrdreg $0xFFFFFFFF  }
0xa7: {  	s28 =	simm.s32 $_size_execute0_lowered;
	s2 =	sadd.s32 s2, s4;
	[dreg:$0x0] =	wrdreg $0x0  }
0xa8: {  	s4 =	sshll.u32 s28, $0x1;
	[dreg:$0x2] =	wrdreg s2  }
0xa9: {  	[dreg:$0x3] =	wrdreg s4  }
0xaa: {  	[dreg:$0x4] =	wrdreg $0xC0  }
0xab: {  	_ =	task [dreg:s6], $0x5FFFF  }
0xac: {  	[dreg:$0x1] =	wrdreg $0xFFFFFFFF  }
0xad: {  	[dreg:$0x0] =	wrdreg $0x60  }
0xae: {  	[dreg:$0x2] =	wrdreg s24  }
0xaf: {  	[dreg:$0x3] =	wrdreg $0x43000  }
0xb0: {  	[dreg:$0x4] =	wrdreg $0x9  }
0xb1: {  	_ =	task.clear_ibuf [dreg:s6], $0x5FFFF;
	_ =	strace $0x90000046  }
0xb2: {  	s29 =	simm.s32 $0x9;
	_ =	strace $0x80000048  }
0xb3: {  	_ =	swait.ge [sflag:s29], $0x1  }
0xb4: {  	[sflag:s29] =	ssyncadd.s32 $0xFFFFFFFF  }
0xb5: {  	_ =	strace $0x90000048  }
0xb6: {  	_ =	sfence  }
0xb7: {  	s30 =	sld [smem:$0x0];
	_ =	sdelay $0x2  }
0xb8: {  	s31 =	sshll.u32 s1, $0xD;
	s1 =	sshrl.u32 s1, $0x2  }
0xb9: {  	s3 =	sand.u32 $0x4000, s31;
	s1 =	sadd.s32 s1, s30  }
0xba: {  	s0 =	sor.u32 s3, s0;
	s1 =	sshll.u32 s1, $0x11  }
0xbb: {  	s0 =	sor.u32 s1, s0  }
0xbc: {  	s0 =	sadd.s32 $0x8F2B, s0  }
0xbd: {  	[sflag:s0] =	ssyncadd.remote.s32 $0x1  }
0xbe: {  	_ =	sfence.sel $0xFFFF  }
0xbf: {  	[dreg:$0x0] =	wrdreg $0xFFFFFFFF;
	(pc) =	sbr.abs _section_cstart, $3  }
0xc0: {  	[dreg:$0x1] =	wrdreg $0xFFFFFFFF  }
0xc1: {  	_ =	task.clear_ibuf [dreg:s6], $0x2FFFF;
	_ =	strace $0x9FFFFFFF  }
0xc2: {  	(tm) =	ssettm $0x7FFFFFFF  }
0xc3: {  	_ =	shalt  }
tec
execute0_lowered:
.L_overlay_start_1:
0x0: {  	(tag) =	ssettag $0x1  }
0x1: {  	s4 =	rddreg [dreg:$0x0]  }
0x2: {  	s2 =	rddreg [dreg:$0x1]  }
0x3: {  	s0 =	rddreg [dreg:$0x2];
	s5 =	srdreg.scid  }
0x4: {  	s1 =	stileid.u32;
	s3 =	simm.s32 $0x0;
	s10 =	simm.s32 $0x50  }
0x5: {  	s11 =	simm.s32 $0x4000;
	s14 =	simm.s32 $0x20;
	s15 =	simm.s32 $0x10  }
0x6: {  	s16 =	simm.s32 $0x0;
	s5 =	sand.u32 $0x1, s5;
	s6 =	smul.u32 $0x500, s1  }
0x7: {  	[smem:$0x7FF] =	sst s3;
	s28 =	smul.u32 $0xA00, s1;
	s30 =	sshll.u32 s1, $0xC  }
0x8: {  	s12 =	sshll.u32 s1, $0x6;
	s7 =	sshll.u32 s5, $0x7;
	_ =	strace $0x80000047  }
0x9: {  	s8 =	sshll.u32 s5, $0xB;
	s29 =	ssub.s32 $0x2, s5;
	s12 =	sor.u32 $0x1C01, s12  }
0xa: {  	s6 =	sor.u32 s7, s6;
	s26 =	sadd.s32 s8, s4;
	s9 =	sshrl.u32 s29, $0x1  }
0xb: {  	s8 =	sshrl.u32 s28, $0x2;
	s6 =	sshrl.u32 s6, $0x3;
	s5 =	sadd.s32 s30, s26  }
0xc: {  	s31 =	ssub.s32 s29, s9;
	s9 =	simm.s32 $0x1;
	s6 =	sadd.s32 s6, s4  }
0xd: {  	s4 =	sadd.s32 s8, s2;
	s5 =	sadd.s32 $0x12C00, s5;
	s7 =	smax.u32 s31, $0x1  }
0xe: {  	v0 =	vimm.f32 $1.000000000e+00;
	v1 =	vimm.f32 $0.0e+00;
	s8 =	simm.s32 $0x4080;
	s6 =	sadd.s32 $0x22C00, s6;
	s13 =	sshrl.u32 s4, $0x3  }
.LBB2_1:
0xf: {  	[tilespmem:$0x4000] =	vst v0  }
0x10: {  	[tilespmem:$0x4010] =	vst v0  }
0x11: {  	[tilespmem:$0x4020] =	vst v0  }
0x12: {  	[tilespmem:$0x4030] =	vst v0  }
0x13: {  	[tilespmem:$0x4040] =	vst v0  }
0x14: {  	[tilespmem:$0x4080] =	vst v1  }
0x15: {  	[tilespmem:$0x4090] =	vst v1  }
0x16: {  	[tilespmem:$0x40A0] =	vst v1  }
0x17: {  	[tilespmem:$0x40B0] =	vst v1  }
0x18: {  	[tilespmem:$0x40C0] =	vst v1  }
0x19: {  	[tilespmem:$0x40D0] =	vst v1  }
0x1a: {  	[tilespmem:$0x40E0] =	vst v1  }
0x1b: {  	[tilespmem:$0x40F0] =	vst v1  }
0x1c: {  	[tilespmem:$0x4100] =	vst v1  }
0x1d: {  	[tilespmem:$0x4110] =	vst v1  }
0x1e: {  	[tilespmem:$0x4120] =	vst v1  }
0x1f: {  	[tilespmem:$0x4130] =	vst v1  }
0x20: {  	[tilespmem:$0x4140] =	vst v1  }
0x21: {  	[tilespmem:$0x4150] =	vst v1  }
0x22: {  	[tilespmem:$0x4160] =	vst v1  }
0x23: {  	[tilespmem:$0x4170] =	vst v1  }
0x24: {  	[tilespmem:$0x4180] =	vst v1  }
0x25: {  	[tilespmem:$0x4190] =	vst v1  }
0x26: {  	[tilespmem:$0x41A0] =	vst v1  }
0x27: {  	[tilespmem:$0x41B0] =	vst v1  }
0x28: {  	[tilespmem:$0x41C0] =	vst v1  }
0x29: {  	[tilespmem:$0x41D0] =	vst v1  }
0x2a: {  	[tilespmem:$0x41E0] =	vst v1  }
0x2b: {  	[tilespmem:$0x41F0] =	vst v1  }
0x2c: {  	[tilespmem:$0x4200] =	vst v1  }
0x2d: {  	[tilespmem:$0x4210] =	vst v1  }
0x2e: {  	[tilespmem:$0x4220] =	vst v1  }
0x2f: {  	[tilespmem:$0x4230] =	vst v1  }
0x30: {  	[tilespmem:$0x4240] =	vst v1  }
0x31: {  	[tilespmem:$0x4250] =	vst v1  }
0x32: {  	[tilespmem:$0x4260] =	vst v1  }
0x33: {  	[tilespmem:$0x4270] =	vst v1  }
0x34: {  	[tilespmem:$0x4280] =	vst v1  }
0x35: {  	[tilespmem:$0x4290] =	vst v1  }
0x36: {  	[tilespmem:$0x42A0] =	vst v1  }
0x37: {  	[tilespmem:$0x42B0] =	vst v1  }
0x38: {  	[tilespmem:$0x42C0] =	vst v1  }
0x39: {  	[tilespmem:$0x42D0] =	vst v1  }
0x3a: {  	[tilespmem:$0x42E0] =	vst v1  }
0x3b: {  	[tilespmem:$0x42F0] =	vst v1  }
0x3c: {  	[spmem:s4] =	stream.linear.scatter [tilespmem:s8], [sflag:$0x1], $0x280, $0x38;
	[tilespmem:$0x4580] =	vst v63  }
0x3d: {  	_ =	swait.ge [sflag:s9], $0x280  }
0x3e: {  	[sflag:s9] =	ssyncset.done $0x0  }
0x3f: {  	[sflag:s9] =	ssyncadd.s32 $0xFFFFFD80  }
0x40: {  	[bflag:$0x0] =	sbarrier.arrive $0xFFFF  }
0x41: {  	[tilespmem:s3], [sflag:$0x1] =	stream.linear.gather [hbm4b:s5+s3], $0x3E80, $0x38;
	[tilespmem:$0x4580] =	vst v63  }
0x42: {  	_ =	swait.ge [sflag:s9], $0x3E80  }
0x43: {  	[sflag:s9] =	ssyncset.done $0x0  }
0x44: {  	s17 =	simm.s32 $0x0;
	[sflag:s9] =	ssyncadd.s32 $0xFFFFC180  }
0x45: {  	[spmem:s2] =	stream.indirect.scatter.add.f32 [tilespmem:s11], [sflag:$0x1], $0x1, s17, s10, $0xb8;
	[tilespmem:$0x4580] =	vst v63  }
0x46: {  	_ =	swait.ge [sflag:s9], $0x50  }
0x47: {  	s17 =	simm.s32 $0x200;
	[sflag:s9] =	ssyncset.done $0x0  }
.LBB2_2:
0x48: {  	s18 =	sshra.s32 s17, $0x2;
	[sflag:s9] =	ssyncadd.s32 $0xFFFFFFB0;
	p0 =	sne.s32 s17, $0xF800  }
0x49: {  	[spmem:s2] =	stream.indirect.scatter.add.f32 [tilespmem:s11], [sflag:$0x1], $0x1, s18, s10, $0xb8;
	[tilespmem:$0x4580] =	vst v63  }
.Ltmp0:
0x4a: {  	_ = 	snop;
	(pc) =	sbr.rel @p0 .LBB2_2-.Ltmp0, $4  }
0x4b: {  	_ = 	snop  }
0x4c: {  	s17 =	sadd.s32 $0x200, s17  }
0x4d: {  	_ =	swait.ge [sflag:s9], $0x50  }
0x4e: {  	[sflag:s9] =	ssyncset.done $0x0  }
0x4f: {  	s16 =	sadd.s32 $0x1, s16  }
0x50: {  	[sflag:s9] =	ssyncadd.s32 $0xFFFFFFB0;
	p0 =	sne.s32 s16, s7  }
.Ltmp1:
0x51: {  	[bflag:$0x0] =	sbarrier.arrive $0xFFFF;
	(pc) =	sbr.rel @p0 .LBB2_1-.Ltmp1, $4  }
0x52: {  	[hbm:s6@s14], [sflag:s12] =	dma.strided [spmem:s13@s15], $0x50, s9, $0x10   }
0x53: {  	_ =	swait.ge [sflag:s9], $0x50  }
0x54: {  	[sflag:s9] =	ssyncset.done $0x0  }
0x55: {  	[sflag:s9] =	ssyncadd.s32 $0xFFFFFFB0  }
0x56: {  	_ =	sfence.sel $0x180000  }
0x57: {  	[bflag:$0x0] =	sbarrier.arrive $0xFFFF  }
0x58: {  	p0 =	sne.s32 s1, $0x0;
	_ =	strace $0x90000047  }
0x59: {  	s0 =	sadd.s32 @!p0 $0x100000, s0;
	[bflag:$0x2] =	sbarrier.arrive $0xFFFF  }
0x5a: {  	[sflag:s0] =	ssyncadd.tile.s32 @!p0 $0x1;
	_ =	shalt  }
.Lfunc_end2:
_tile_overlayer_lowered:
.L_overlay_start_2:
0x5b: {  	(tag) =	ssettag $0x2  }
0x5c: {  	s0 =	rddreg [dreg:$0x0];
	s2 =	stileid.u32  }
0x5d: {  	s1 =	rddreg [dreg:$0x1];
	p0 =	sne.s32 s2, $0x0  }
0x5e: {  	s3 =	rddreg [dreg:$0x2];
	[bflag:$0x3] =	sbarrier.arrive $0xFFFF;
	s2 =	simm.s32 @!p0 $0x1C01  }
0x5f: {  	[timem:s3], [sflag:s2] =	dma.local @!p0 [hbm:s0], s1  }
0x60: {  	s0 =	simm.s32 @!p0 $0x1  }
0x61: {  	_ =	swait.ge @!p0 [sflag:s0], s1  }
0x62: {  	s1 =	ssub.s32 @!p0 $0x0, s1;
	[sflag:s0] =	ssyncset.done @!p0 $0x0  }
0x63: {  	[sflag:s0] =	ssyncadd.s32 @!p0 s1  }
0x64: {  	[bflag:$0x3] =	sbarrier.arrive $0xFFFF  }
0x65: {  	_ =	shalt  }

</sc_bundles>
